<compile_context>
chip_gen: v7x
topology: tpu7x:2x2x1
jax: 0.10.2.dev20260603
libtpu: 0.0.44.dev20260713+nightly
codegen_flags: <defaults>
</compile_context>

<pallas_src>
import jax
import jax.numpy as jnp
from jax import lax
from jax.experimental import pallas as pl
from jax.experimental.pallas import tpu as pltpu
from jax.experimental.pallas import tpu_sc as plsc
from jax._src.pallas import mpmd as _mpmd

INPUT_SIZE = 64
HIDDEN = 64
W = 128
CAST = 512
N_STORIES = 1024
M = N_STORIES * CAST
B = 16384
N_STOP = 64

NC = 2
NS = 16
NW = NC * NS
BPW = B // NW
CHUNK = 128
NCHUNK = BPW // CHUNK

_mesh = plsc.VectorSubcoreMesh(
    core_axis_name="c", subcore_axis_name="s", num_cores=NC, num_subcores=NS
)
_sc_params = pltpu.CompilerParams(use_tc_tiling_on_sc=False)


def _wid():
  return lax.axis_index("s") * NC + lax.axis_index("c")


def _sc_gather_body(state_hbm, idx_hbm, out_hbm, tbl_out, idx_v, rows_v, sem):
  del tbl_out
  wid = _wid()
  pltpu.sync_copy(idx_hbm.at[pl.ds(wid * NCHUNK, NCHUNK)], idx_v)
  descs = []
  for j in range(NCHUNK):
    descs.append(
        pltpu.async_copy(
            state_hbm.at[idx_v.at[j]],
            rows_v.at[pl.ds(j * CHUNK, CHUNK)],
            sem,
        )
    )
  for d in descs:
    d.wait()
  pltpu.sync_copy(rows_v, out_hbm.at[pl.ds(wid * BPW, BPW)])


_sc_gather = _mpmd._mpmd_map(
    [(_mesh, _sc_gather_body)],
    out_types=(
        jax.ShapeDtypeStruct((B, W), jnp.float32),
        jax.ShapeDtypeStruct((M, W), jnp.float32),
    ),
    input_output_aliases={0: 1},
    scratch_types=[
        pltpu.VMEM((NCHUNK, CHUNK), jnp.int32),
        pltpu.VMEM((BPW, W), jnp.float32),
        pltpu.SemaphoreType.DMA,
    ],
    compiler_params=_sc_params,
)


def _sc_scatter_body(tbl_in, sidx_hbm, ord_hbm, rows_hbm, out_hbm,
                     sidx_v, ord_v, rows_v, sem):
  del tbl_in
  wid = _wid()
  pltpu.sync_copy(sidx_hbm.at[pl.ds(wid * NCHUNK, NCHUNK)], sidx_v)
  pltpu.sync_copy(ord_hbm.at[pl.ds(wid * NCHUNK, NCHUNK)], ord_v)
  descs = []
  for j in range(NCHUNK):
    descs.append(
        pltpu.async_copy(
            rows_hbm.at[ord_v.at[j]],
            rows_v.at[pl.ds(j * CHUNK, CHUNK)],
            sem,
        )
    )
  for d in descs:
    d.wait()
  descs = []
  for j in range(NCHUNK):
    descs.append(
        pltpu.async_copy(
            rows_v.at[pl.ds(j * CHUNK, CHUNK)],
            out_hbm.at[sidx_v.at[j]],
            sem,
        )
    )
  for d in descs:
    d.wait()


_sc_scatter = _mpmd._mpmd_map(
    [(_mesh, _sc_scatter_body)],
    out_types=jax.ShapeDtypeStruct((M, W), jnp.float32),
    input_output_aliases={0: 0},
    scratch_types=[
        pltpu.VMEM((NCHUNK, CHUNK), jnp.int32),
        pltpu.VMEM((NCHUNK, CHUNK), jnp.int32),
        pltpu.VMEM((BPW, W), jnp.float32),
        pltpu.SemaphoreType.DMA,
    ],
    compiler_params=_sc_params,
)


def _sc_zero_body(tbl_in, stop_hbm, zeros_hbm, out_hbm, stop_v, zeros_v):
  del tbl_in
  @pl.when(_wid() == 0)
  def _():
    pltpu.sync_copy(stop_hbm, stop_v)
    pltpu.sync_copy(zeros_hbm, zeros_v)
    pltpu.sync_copy(zeros_v, out_hbm.at[stop_v])


_sc_zero = _mpmd._mpmd_map(
    [(_mesh, _sc_zero_body)],
    out_types=jax.ShapeDtypeStruct((M, W), jnp.float32),
    input_output_aliases={0: 0},
    scratch_types=[
        pltpu.VMEM((N_STOP,), jnp.int32),
        pltpu.VMEM((N_STOP, W), jnp.float32),
    ],
    compiler_params=_sc_params,
)


_GRU_BS = 2048


def _gru_body(x_ref, h_ref, wih_ref, whh_ref, bih_ref, bhh_ref, out_ref):
  x = x_ref[...]
  h = h_ref[:, :HIDDEN]
  dn = (((1,), (1,)), ((), ()))
  gi = lax.dot_general(x, wih_ref[...], dn,
                       preferred_element_type=jnp.float32) + bih_ref[...]
  gh = lax.dot_general(h, whh_ref[...], dn,
                       preferred_element_type=jnp.float32) + bhh_ref[...]
  i_r, i_z, i_n = gi[:, :HIDDEN], gi[:, HIDDEN:2 * HIDDEN], gi[:, 2 * HIDDEN:]
  h_r, h_z, h_n = gh[:, :HIDDEN], gh[:, HIDDEN:2 * HIDDEN], gh[:, 2 * HIDDEN:]
  r = jax.nn.sigmoid(i_r + h_r)
  z = jax.nn.sigmoid(i_z + h_z)
  n = jnp.tanh(i_n + r * h_n)
  hnew = (1.0 - z) * n + z * h
  out_ref[...] = jnp.concatenate(
      [hnew, jnp.zeros((_GRU_BS, W - HIDDEN), jnp.float32)], axis=1)


_gru = pl.pallas_call(
    _gru_body,
    grid=(B // _GRU_BS,),
    in_specs=[
        pl.BlockSpec((_GRU_BS, INPUT_SIZE), lambda i: (i, 0)),
        pl.BlockSpec((_GRU_BS, W), lambda i: (i, 0)),
        pl.BlockSpec((3 * HIDDEN, INPUT_SIZE), lambda i: (0, 0)),
        pl.BlockSpec((3 * HIDDEN, HIDDEN), lambda i: (0, 0)),
        pl.BlockSpec((1, 3 * HIDDEN), lambda i: (0, 0)),
        pl.BlockSpec((1, 3 * HIDDEN), lambda i: (0, 0)),
    ],
    out_specs=pl.BlockSpec((_GRU_BS, W), lambda i: (i, 0)),
    out_shape=jax.ShapeDtypeStruct((B, W), jnp.float32),
)


_WID_BS = 4096


def _widen_body(s_ref, eye_ref, o_ref):
  blk = s_ref[...]
  left = blk.T
  o_ref[:, :HIDDEN] = left


_widen = pl.pallas_call(
    _widen_body,
    grid=(M // _WID_BS,),
    in_specs=[
        pl.BlockSpec((HIDDEN, _WID_BS), lambda i: (0, i)),
        pl.BlockSpec((HIDDEN, HIDDEN), lambda i: (0, 0)),
    ],
    out_specs=pl.BlockSpec((_WID_BS, W), lambda i: (i, 0)),
    out_shape=jax.ShapeDtypeStruct((M, W), jnp.float32),
)


def kernel(x, state, batch_idxs, actor_ids, story_stop_idxs, W_ih, W_hh,
           b_ih, b_hh):
  aid = jnp.clip(actor_ids, 0, CAST - 1).astype(jnp.int32)
  idxs = batch_idxs.astype(jnp.int32) * CAST + aid

  pos = jnp.arange(B, dtype=jnp.int32)
  sidx, order = lax.sort((idxs, pos), dimension=0, is_stable=True, num_keys=1)
  keep_s = jnp.concatenate(
      [sidx[:-1] != sidx[1:], jnp.ones((1,), jnp.bool_)])
  stop0 = story_stop_idxs[0].astype(jnp.int32)
  scat_idx = jnp.where(keep_s, sidx, stop0)

  table0 = _widen(state.T, jnp.eye(HIDDEN, dtype=jnp.float32))

  selected, table = _sc_gather(table0, idxs.reshape(B // CHUNK, CHUNK))
  new_sel_wide = _gru(x, selected, W_ih, W_hh,
                      b_ih.reshape(1, 3 * HIDDEN), b_hh.reshape(1, 3 * HIDDEN))
  scattered = _sc_scatter(table, scat_idx.reshape(B // CHUNK, CHUNK),
                          order.reshape(B // CHUNK, CHUNK), new_sel_wide)
  final_wide = _sc_zero(scattered, story_stop_idxs.astype(jnp.int32),
                        jnp.zeros((N_STOP, W), jnp.float32))
  new_selected = new_sel_wide[:, :HIDDEN]
  new_state = final_wide[:, :HIDDEN]
  return new_selected, new_state

# --- scband reference (transcript-rebuilt; emitter-appended) ---
"""Pipeline reference for scband-actor-pool-62508954026544 (READ-ONLY COPY).

The authoritative reference and input builder live on the scoring server;
editing this copy changes nothing except your own understanding.
"""

import jax, jax.numpy as jnp
import numpy as np

INPUT_SIZE = 64
HIDDEN = 64
CAST = 512
N_STORIES = 1024
M = N_STORIES * CAST
B = 16384
N_STOP = 64


def gru_cell(x, h, W_ih, W_hh, b_ih, b_hh):
    # Faithful torch.nn.GRUCell math (gate order r, z, n)
    gi = x @ W_ih.T + b_ih
    gh = h @ W_hh.T + b_hh
    i_r, i_z, i_n = jnp.split(gi, 3, axis=1)
    h_r, h_z, h_n = jnp.split(gh, 3, axis=1)
    r = jax.nn.sigmoid(i_r + h_r)
    z = jax.nn.sigmoid(i_z + h_z)
    n = jnp.tanh(i_n + r * h_n)
    return (1.0 - z) * n + z * h


def setup_inputs(seed: int = 0) -> dict:
    key = jax.random.key(seed)
    ks = jax.random.split(key, 9)
    x = jax.random.normal(ks[0], (B, INPUT_SIZE), dtype=jnp.float32)
    state = jax.random.normal(ks[1], (M, HIDDEN), dtype=jnp.float32)
    batch_idxs = jax.random.randint(ks[2], (B,), 0, N_STORIES, dtype=jnp.int64 if jax.config.jax_enable_x64 else jnp.int32)
    actor_ids = jax.random.randint(ks[3], (B,), 0, CAST, dtype=jnp.int64 if jax.config.jax_enable_x64 else jnp.int32)
    story_stop_idxs = jax.random.randint(ks[4], (N_STOP,), 0, M, dtype=jnp.int64 if jax.config.jax_enable_x64 else jnp.int32)
    s = 1.0 / np.sqrt(HIDDEN)
    W_ih = jax.random.uniform(ks[5], (3 * HIDDEN, INPUT_SIZE), jnp.float32, -s, s)
    W_hh = jax.random.uniform(ks[6], (3 * HIDDEN, HIDDEN), jnp.float32, -s, s)
    b_ih = jax.random.uniform(ks[7], (3 * HIDDEN,), jnp.float32, -s, s)
    b_hh = jax.random.uniform(ks[8], (3 * HIDDEN,), jnp.float32, -s, s)
    return {
        "x": x,
        "state": state,
        "batch_idxs": batch_idxs,
        "actor_ids": actor_ids,
        "story_stop_idxs": story_stop_idxs,
        "W_ih": W_ih,
        "W_hh": W_hh,
        "b_ih": b_ih,
        "b_hh": b_hh,
    }


def reference(x, state, batch_idxs, actor_ids, story_stop_idxs, W_ih, W_hh, b_ih, b_hh):
    # actor_ids = actor_ids.clamp(0, cast_size - 1)
    actor_ids = jnp.clip(actor_ids, 0, CAST - 1)
    # convert_idxs: flat row index into the pooled actor memory
    idxs = batch_idxs * CAST + actor_ids
    # _get_actors: gather hidden states from memory
    selected = jnp.take(state, idxs, axis=0)
    # GRUCell step
    new_selected = gru_cell(x, selected, W_ih, W_hh, b_ih, b_hh)
    # _update_actors: scatter-overwrite updated hidden states
    new_state = state.at[idxs].set(new_selected)
    # end_stories / InPlaceZeroDetach: zero out finished-story rows
    new_state = new_state.at[story_stop_idxs].set(0.0)
    return (new_selected, new_state)

if __name__ == "__main__":
    import jax
    _d = setup_inputs()
    print(jax.jit(kernel)(*tuple(_d.values())))

</pallas_src>

<mosaic_0001>
#map = affine_map<(d0, d1) -> (0, 0)>
module attributes {stable_mosaic.version = 14 : i64} {
  func.func @_sc_scatter_body(%arg0: i32, %arg1: i32, %arg2: memref<524288x128xf32, #tpu.memory_space<hbm>>, %arg3: memref<128x128xi32, #tpu.memory_space<hbm>>, %arg4: memref<128x128xi32, #tpu.memory_space<hbm>>, %arg5: memref<16384x128xf32, #tpu.memory_space<hbm>>, %arg6: memref<524288x128xf32, #tpu.memory_space<hbm>>, %arg7: memref<4x128xi32, #tpu.memory_space<vmem>>, %arg8: memref<4x128xi32, #tpu.memory_space<vmem>>, %arg9: memref<512x128xf32, #tpu.memory_space<vmem>>, %arg10: memref<!tpu.dma_semaphore, #tpu.memory_space<semaphore_mem>>) attributes {dimension_semantics = [#tpu.dimension_semantics<core_parallel>, #tpu.dimension_semantics<subcore_parallel>], iteration_bounds = array<i64: 2, 16>, scalar_prefetch = 0 : i64, scratch_operands = 4 : i64, tpu.core_type = #tpu.core_type<sc_vector_subcore>, window_params = [{transform_indices = #map}, {transform_indices = #map}, {transform_indices = #map}, {transform_indices = #map}, {transform_indices = #map}]} {
    %mul3A = arith.constant 2 : i32
    %mul3A_0 = arith.muli %arg1, %mul3A : i32
    %add3A = arith.addi %mul3A_0, %arg0 : i32
    %mul3A_1 = arith.constant 4 : i32
    %mul3A_2 = arith.muli %add3A, %mul3A_1 : i32
    "tpu.region"() ({
      %run_scoped3A = tpu.sem_alloc : memref<!tpu.dma_semaphore, #tpu.memory_space<semaphore_mem>>
      %dma_start3A_163 = arith.constant 0 : i32
      %dma_start3A_164 = tpu.memref_slice %arg3[%mul3A_2, %dma_start3A_163] : memref<128x128xi32, #tpu.memory_space<hbm>> -> memref<4x128xi32, #tpu.memory_space<hbm>>
      %dma_start3A_165 = arith.constant 0 : i32
      %dma_start3A_166 = tpu.memref_slice %arg3[%mul3A_2, %dma_start3A_165] : memref<128x128xi32, #tpu.memory_space<hbm>> -> memref<4x128xi32, #tpu.memory_space<hbm>>
      tpu.enqueue_dma source(%dma_start3A_166 : memref<4x128xi32, #tpu.memory_space<hbm>>) target(%arg7 : memref<4x128xi32, #tpu.memory_space<vmem>>) target_semaphore(%run_scoped3A : memref<!tpu.dma_semaphore, #tpu.memory_space<semaphore_mem>>)
      %dma_wait3A_167 = arith.constant 0 : i32
      %dma_wait3A_168 = tpu.memref_slice %arg3[%mul3A_2, %dma_wait3A_167] : memref<128x128xi32, #tpu.memory_space<hbm>> -> memref<4x128xi32, #tpu.memory_space<hbm>>
      %dma_wait3A_169 = arith.constant 0 : i32
      %dma_wait3A_170 = tpu.memref_slice %arg3[%mul3A_2, %dma_wait3A_169] : memref<128x128xi32, #tpu.memory_space<hbm>> -> memref<4x128xi32, #tpu.memory_space<hbm>>
      tpu.wait_dma2 semaphore(%run_scoped3A : memref<!tpu.dma_semaphore, #tpu.memory_space<semaphore_mem>>) src(%dma_wait3A_170 : memref<4x128xi32, #tpu.memory_space<hbm>>) dst(%arg7 : memref<4x128xi32, #tpu.memory_space<vmem>>)
      tpu.yield
    }) : () -> ()
    %mul3A_3 = arith.constant 4 : i32
    %mul3A_4 = arith.muli %add3A, %mul3A_3 : i32
    "tpu.region"() ({
      %run_scoped3A = tpu.sem_alloc : memref<!tpu.dma_semaphore, #tpu.memory_space<semaphore_mem>>
      %dma_start3A_163 = arith.constant 0 : i32
      %dma_start3A_164 = tpu.memref_slice %arg4[%mul3A_4, %dma_start3A_163] : memref<128x128xi32, #tpu.memory_space<hbm>> -> memref<4x128xi32, #tpu.memory_space<hbm>>
      %dma_start3A_165 = arith.constant 0 : i32
      %dma_start3A_166 = tpu.memref_slice %arg4[%mul3A_4, %dma_start3A_165] : memref<128x128xi32, #tpu.memory_space<hbm>> -> memref<4x128xi32, #tpu.memory_space<hbm>>
      tpu.enqueue_dma source(%dma_start3A_166 : memref<4x128xi32, #tpu.memory_space<hbm>>) target(%arg8 : memref<4x128xi32, #tpu.memory_space<vmem>>) target_semaphore(%run_scoped3A : memref<!tpu.dma_semaphore, #tpu.memory_space<semaphore_mem>>)
      %dma_wait3A_167 = arith.constant 0 : i32
      %dma_wait3A_168 = tpu.memref_slice %arg4[%mul3A_4, %dma_wait3A_167] : memref<128x128xi32, #tpu.memory_space<hbm>> -> memref<4x128xi32, #tpu.memory_space<hbm>>
      %dma_wait3A_169 = arith.constant 0 : i32
      %dma_wait3A_170 = tpu.memref_slice %arg4[%mul3A_4, %dma_wait3A_169] : memref<128x128xi32, #tpu.memory_space<hbm>> -> memref<4x128xi32, #tpu.memory_space<hbm>>
      tpu.wait_dma2 semaphore(%run_scoped3A : memref<!tpu.dma_semaphore, #tpu.memory_space<semaphore_mem>>) src(%dma_wait3A_170 : memref<4x128xi32, #tpu.memory_space<hbm>>) dst(%arg8 : memref<4x128xi32, #tpu.memory_space<vmem>>)
      tpu.yield
    }) : () -> ()
    %dma_start3A = arith.constant 0 : i32
    %dma_start3A_5 = arith.constant 0 : i32
    %dma_start3A_6 = arith.constant 0 : i32
    %dma_start3A_7 = tpu.memref_slice %arg9[%dma_start3A_5, %dma_start3A_6] : memref<512x128xf32, #tpu.memory_space<vmem>> -> memref<128x128xf32, #tpu.memory_space<vmem>>
    %dma_start3A_8 = arith.constant 0 : i32
    %dma_start3A_9 = tpu.memref_slice %arg8[%dma_start3A, %dma_start3A_8] : memref<4x128xi32, #tpu.memory_space<vmem>> -> memref<1x128xi32, #tpu.memory_space<vmem>>
    %dma_start3A_10 = tpu.memref_squeeze %dma_start3A_9 : memref<1x128xi32, #tpu.memory_space<vmem>> -> memref<128xi32, #tpu.memory_space<vmem>>
    %dma_start3A_11 = arith.constant 0 : i32
    %dma_start3A_12 = arith.constant 0 : i32
    %dma_start3A_13 = tpu.memref_slice %arg5[%dma_start3A_11, %dma_start3A_12] : memref<16384x128xf32, #tpu.memory_space<hbm>> -> memref<16384x128xf32, #tpu.memory_space<hbm>>
    tpu.enqueue_indirect_dma source(%dma_start3A_13 : memref<16384x128xf32, #tpu.memory_space<hbm>>) target(%dma_start3A_7 : memref<128x128xf32, #tpu.memory_space<vmem>>) offsets(%dma_start3A_10 : memref<128xi32, #tpu.memory_space<vmem>>) semaphore(%arg10 : memref<!tpu.dma_semaphore, #tpu.memory_space<semaphore_mem>>)
    %dma_start3A_14 = arith.constant 1 : i32
    %dma_start3A_15 = arith.constant 128 : i32
    %dma_start3A_16 = arith.constant 0 : i32
    %dma_start3A_17 = tpu.memref_slice %arg9[%dma_start3A_15, %dma_start3A_16] : memref<512x128xf32, #tpu.memory_space<vmem>> -> memref<128x128xf32, #tpu.memory_space<vmem>>
    %dma_start3A_18 = arith.constant 0 : i32
    %dma_start3A_19 = tpu.memref_slice %arg8[%dma_start3A_14, %dma_start3A_18] : memref<4x128xi32, #tpu.memory_space<vmem>> -> memref<1x128xi32, #tpu.memory_space<vmem>>
    %dma_start3A_20 = tpu.memref_squeeze %dma_start3A_19 : memref<1x128xi32, #tpu.memory_space<vmem>> -> memref<128xi32, #tpu.memory_space<vmem>>
    %dma_start3A_21 = arith.constant 0 : i32
    %dma_start3A_22 = arith.constant 0 : i32
    %dma_start3A_23 = tpu.memref_slice %arg5[%dma_start3A_21, %dma_start3A_22] : memref<16384x128xf32, #tpu.memory_space<hbm>> -> memref<16384x128xf32, #tpu.memory_space<hbm>>
    tpu.enqueue_indirect_dma source(%dma_start3A_23 : memref<16384x128xf32, #tpu.memory_space<hbm>>) target(%dma_start3A_17 : memref<128x128xf32, #tpu.memory_space<vmem>>) offsets(%dma_start3A_20 : memref<128xi32, #tpu.memory_space<vmem>>) semaphore(%arg10 : memref<!tpu.dma_semaphore, #tpu.memory_space<semaphore_mem>>)
    %dma_start3A_24 = arith.constant 2 : i32
    %dma_start3A_25 = arith.constant 256 : i32
    %dma_start3A_26 = arith.constant 0 : i32
    %dma_start3A_27 = tpu.memref_slice %arg9[%dma_start3A_25, %dma_start3A_26] : memref<512x128xf32, #tpu.memory_space<vmem>> -> memref<128x128xf32, #tpu.memory_space<vmem>>
    %dma_start3A_28 = arith.constant 0 : i32
    %dma_start3A_29 = tpu.memref_slice %arg8[%dma_start3A_24, %dma_start3A_28] : memref<4x128xi32, #tpu.memory_space<vmem>> -> memref<1x128xi32, #tpu.memory_space<vmem>>
    %dma_start3A_30 = tpu.memref_squeeze %dma_start3A_29 : memref<1x128xi32, #tpu.memory_space<vmem>> -> memref<128xi32, #tpu.memory_space<vmem>>
    %dma_start3A_31 = arith.constant 0 : i32
    %dma_start3A_32 = arith.constant 0 : i32
    %dma_start3A_33 = tpu.memref_slice %arg5[%dma_start3A_31, %dma_start3A_32] : memref<16384x128xf32, #tpu.memory_space<hbm>> -> memref<16384x128xf32, #tpu.memory_space<hbm>>
    tpu.enqueue_indirect_dma source(%dma_start3A_33 : memref<16384x128xf32, #tpu.memory_space<hbm>>) target(%dma_start3A_27 : memref<128x128xf32, #tpu.memory_space<vmem>>) offsets(%dma_start3A_30 : memref<128xi32, #tpu.memory_space<vmem>>) semaphore(%arg10 : memref<!tpu.dma_semaphore, #tpu.memory_space<semaphore_mem>>)
    %dma_start3A_34 = arith.constant 3 : i32
    %dma_start3A_35 = arith.constant 384 : i32
    %dma_start3A_36 = arith.constant 0 : i32
    %dma_start3A_37 = tpu.memref_slice %arg9[%dma_start3A_35, %dma_start3A_36] : memref<512x128xf32, #tpu.memory_space<vmem>> -> memref<128x128xf32, #tpu.memory_space<vmem>>
    %dma_start3A_38 = arith.constant 0 : i32
    %dma_start3A_39 = tpu.memref_slice %arg8[%dma_start3A_34, %dma_start3A_38] : memref<4x128xi32, #tpu.memory_space<vmem>> -> memref<1x128xi32, #tpu.memory_space<vmem>>
    %dma_start3A_40 = tpu.memref_squeeze %dma_start3A_39 : memref<1x128xi32, #tpu.memory_space<vmem>> -> memref<128xi32, #tpu.memory_space<vmem>>
    %dma_start3A_41 = arith.constant 0 : i32
    %dma_start3A_42 = arith.constant 0 : i32
    %dma_start3A_43 = tpu.memref_slice %arg5[%dma_start3A_41, %dma_start3A_42] : memref<16384x128xf32, #tpu.memory_space<hbm>> -> memref<16384x128xf32, #tpu.memory_space<hbm>>
    tpu.enqueue_indirect_dma source(%dma_start3A_43 : memref<16384x128xf32, #tpu.memory_space<hbm>>) target(%dma_start3A_37 : memref<128x128xf32, #tpu.memory_space<vmem>>) offsets(%dma_start3A_40 : memref<128xi32, #tpu.memory_space<vmem>>) semaphore(%arg10 : memref<!tpu.dma_semaphore, #tpu.memory_space<semaphore_mem>>)
    %dma_wait3A = arith.constant 0 : i32
    %dma_wait3A_44 = arith.constant 0 : i32
    %dma_wait3A_45 = arith.constant 0 : i32
    %dma_wait3A_46 = tpu.memref_slice %arg9[%dma_wait3A_44, %dma_wait3A_45] : memref<512x128xf32, #tpu.memory_space<vmem>> -> memref<128x128xf32, #tpu.memory_space<vmem>>
    %dma_wait3A_47 = arith.constant 0 : i32
    %dma_wait3A_48 = tpu.memref_slice %arg8[%dma_wait3A, %dma_wait3A_47] : memref<4x128xi32, #tpu.memory_space<vmem>> -> memref<1x128xi32, #tpu.memory_space<vmem>>
    %dma_wait3A_49 = tpu.memref_squeeze %dma_wait3A_48 : memref<1x128xi32, #tpu.memory_space<vmem>> -> memref<128xi32, #tpu.memory_space<vmem>>
    %dma_wait3A_50 = arith.constant 0 : i32
    %dma_wait3A_51 = arith.constant 0 : i32
    %dma_wait3A_52 = tpu.memref_slice %arg5[%dma_wait3A_50, %dma_wait3A_51] : memref<16384x128xf32, #tpu.memory_space<hbm>> -> memref<16384x128xf32, #tpu.memory_space<hbm>>
    tpu.wait_indirect_dma semaphore(%arg10 : memref<!tpu.dma_semaphore, #tpu.memory_space<semaphore_mem>>) src(%dma_wait3A_52 : memref<16384x128xf32, #tpu.memory_space<hbm>>) dst(%dma_wait3A_46 : memref<128x128xf32, #tpu.memory_space<vmem>>)
    %dma_wait3A_53 = arith.constant 1 : i32
    %dma_wait3A_54 = arith.constant 128 : i32
    %dma_wait3A_55 = arith.constant 0 : i32
    %dma_wait3A_56 = tpu.memref_slice %arg9[%dma_wait3A_54, %dma_wait3A_55] : memref<512x128xf32, #tpu.memory_space<vmem>> -> memref<128x128xf32, #tpu.memory_space<vmem>>
    %dma_wait3A_57 = arith.constant 0 : i32
    %dma_wait3A_58 = tpu.memref_slice %arg8[%dma_wait3A_53, %dma_wait3A_57] : memref<4x128xi32, #tpu.memory_space<vmem>> -> memref<1x128xi32, #tpu.memory_space<vmem>>
    %dma_wait3A_59 = tpu.memref_squeeze %dma_wait3A_58 : memref<1x128xi32, #tpu.memory_space<vmem>> -> memref<128xi32, #tpu.memory_space<vmem>>
    %dma_wait3A_60 = arith.constant 0 : i32
    %dma_wait3A_61 = arith.constant 0 : i32
    %dma_wait3A_62 = tpu.memref_slice %arg5[%dma_wait3A_60, %dma_wait3A_61] : memref<16384x128xf32, #tpu.memory_space<hbm>> -> memref<16384x128xf32, #tpu.memory_space<hbm>>
    tpu.wait_indirect_dma semaphore(%arg10 : memref<!tpu.dma_semaphore, #tpu.memory_space<semaphore_mem>>) src(%dma_wait3A_62 : memref<16384x128xf32, #tpu.memory_space<hbm>>) dst(%dma_wait3A_56 : memref<128x128xf32, #tpu.memory_space<vmem>>)
    %dma_wait3A_63 = arith.constant 2 : i32
    %dma_wait3A_64 = arith.constant 256 : i32
    %dma_wait3A_65 = arith.constant 0 : i32
    %dma_wait3A_66 = tpu.memref_slice %arg9[%dma_wait3A_64, %dma_wait3A_65] : memref<512x128xf32, #tpu.memory_space<vmem>> -> memref<128x128xf32, #tpu.memory_space<vmem>>
    %dma_wait3A_67 = arith.constant 0 : i32
    %dma_wait3A_68 = tpu.memref_slice %arg8[%dma_wait3A_63, %dma_wait3A_67] : memref<4x128xi32, #tpu.memory_space<vmem>> -> memref<1x128xi32, #tpu.memory_space<vmem>>
    %dma_wait3A_69 = tpu.memref_squeeze %dma_wait3A_68 : memref<1x128xi32, #tpu.memory_space<vmem>> -> memref<128xi32, #tpu.memory_space<vmem>>
    %dma_wait3A_70 = arith.constant 0 : i32
    %dma_wait3A_71 = arith.constant 0 : i32
    %dma_wait3A_72 = tpu.memref_slice %arg5[%dma_wait3A_70, %dma_wait3A_71] : memref<16384x128xf32, #tpu.memory_space<hbm>> -> memref<16384x128xf32, #tpu.memory_space<hbm>>
    tpu.wait_indirect_dma semaphore(%arg10 : memref<!tpu.dma_semaphore, #tpu.memory_space<semaphore_mem>>) src(%dma_wait3A_72 : memref<16384x128xf32, #tpu.memory_space<hbm>>) dst(%dma_wait3A_66 : memref<128x128xf32, #tpu.memory_space<vmem>>)
    %dma_wait3A_73 = arith.constant 3 : i32
    %dma_wait3A_74 = arith.constant 384 : i32
    %dma_wait3A_75 = arith.constant 0 : i32
    %dma_wait3A_76 = tpu.memref_slice %arg9[%dma_wait3A_74, %dma_wait3A_75] : memref<512x128xf32, #tpu.memory_space<vmem>> -> memref<128x128xf32, #tpu.memory_space<vmem>>
    %dma_wait3A_77 = arith.constant 0 : i32
    %dma_wait3A_78 = tpu.memref_slice %arg8[%dma_wait3A_73, %dma_wait3A_77] : memref<4x128xi32, #tpu.memory_space<vmem>> -> memref<1x128xi32, #tpu.memory_space<vmem>>
    %dma_wait3A_79 = tpu.memref_squeeze %dma_wait3A_78 : memref<1x128xi32, #tpu.memory_space<vmem>> -> memref<128xi32, #tpu.memory_space<vmem>>
    %dma_wait3A_80 = arith.constant 0 : i32
    %dma_wait3A_81 = arith.constant 0 : i32
    %dma_wait3A_82 = tpu.memref_slice %arg5[%dma_wait3A_80, %dma_wait3A_81] : memref<16384x128xf32, #tpu.memory_space<hbm>> -> memref<16384x128xf32, #tpu.memory_space<hbm>>
    tpu.wait_indirect_dma semaphore(%arg10 : memref<!tpu.dma_semaphore, #tpu.memory_space<semaphore_mem>>) src(%dma_wait3A_82 : memref<16384x128xf32, #tpu.memory_space<hbm>>) dst(%dma_wait3A_76 : memref<128x128xf32, #tpu.memory_space<vmem>>)
    %dma_start3A_83 = arith.constant 0 : i32
    %dma_start3A_84 = arith.constant 0 : i32
    %dma_start3A_85 = arith.constant 0 : i32
    %dma_start3A_86 = tpu.memref_slice %arg9[%dma_start3A_84, %dma_start3A_85] : memref<512x128xf32, #tpu.memory_space<vmem>> -> memref<128x128xf32, #tpu.memory_space<vmem>>
    %dma_start3A_87 = arith.constant 0 : i32
    %dma_start3A_88 = tpu.memref_slice %arg7[%dma_start3A_83, %dma_start3A_87] : memref<4x128xi32, #tpu.memory_space<vmem>> -> memref<1x128xi32, #tpu.memory_space<vmem>>
    %dma_start3A_89 = tpu.memref_squeeze %dma_start3A_88 : memref<1x128xi32, #tpu.memory_space<vmem>> -> memref<128xi32, #tpu.memory_space<vmem>>
    %dma_start3A_90 = arith.constant 0 : i32
    %dma_start3A_91 = arith.constant 0 : i32
    %dma_start3A_92 = tpu.memref_slice %arg6[%dma_start3A_90, %dma_start3A_91] : memref<524288x128xf32, #tpu.memory_space<hbm>> -> memref<524288x128xf32, #tpu.memory_space<hbm>>
    tpu.enqueue_indirect_dma source(%dma_start3A_86 : memref<128x128xf32, #tpu.memory_space<vmem>>) target(%dma_start3A_92 : memref<524288x128xf32, #tpu.memory_space<hbm>>) offsets(%dma_start3A_89 : memref<128xi32, #tpu.memory_space<vmem>>) semaphore(%arg10 : memref<!tpu.dma_semaphore, #tpu.memory_space<semaphore_mem>>)
    %dma_start3A_93 = arith.constant 1 : i32
    %dma_start3A_94 = arith.constant 128 : i32
    %dma_start3A_95 = arith.constant 0 : i32
    %dma_start3A_96 = tpu.memref_slice %arg9[%dma_start3A_94, %dma_start3A_95] : memref<512x128xf32, #tpu.memory_space<vmem>> -> memref<128x128xf32, #tpu.memory_space<vmem>>
    %dma_start3A_97 = arith.constant 0 : i32
    %dma_start3A_98 = tpu.memref_slice %arg7[%dma_start3A_93, %dma_start3A_97] : memref<4x128xi32, #tpu.memory_space<vmem>> -> memref<1x128xi32, #tpu.memory_space<vmem>>
    %dma_start3A_99 = tpu.memref_squeeze %dma_start3A_98 : memref<1x128xi32, #tpu.memory_space<vmem>> -> memref<128xi32, #tpu.memory_space<vmem>>
    %dma_start3A_100 = arith.constant 0 : i32
    %dma_start3A_101 = arith.constant 0 : i32
    %dma_start3A_102 = tpu.memref_slice %arg6[%dma_start3A_100, %dma_start3A_101] : memref<524288x128xf32, #tpu.memory_space<hbm>> -> memref<524288x128xf32, #tpu.memory_space<hbm>>
    tpu.enqueue_indirect_dma source(%dma_start3A_96 : memref<128x128xf32, #tpu.memory_space<vmem>>) target(%dma_start3A_102 : memref<524288x128xf32, #tpu.memory_space<hbm>>) offsets(%dma_start3A_99 : memref<128xi32, #tpu.memory_space<vmem>>) semaphore(%arg10 : memref<!tpu.dma_semaphore, #tpu.memory_space<semaphore_mem>>)
    %dma_start3A_103 = arith.constant 2 : i32
    %dma_start3A_104 = arith.constant 256 : i32
    %dma_start3A_105 = arith.constant 0 : i32
    %dma_start3A_106 = tpu.memref_slice %arg9[%dma_start3A_104, %dma_start3A_105] : memref<512x128xf32, #tpu.memory_space<vmem>> -> memref<128x128xf32, #tpu.memory_space<vmem>>
    %dma_start3A_107 = arith.constant 0 : i32
    %dma_start3A_108 = tpu.memref_slice %arg7[%dma_start3A_103, %dma_start3A_107] : memref<4x128xi32, #tpu.memory_space<vmem>> -> memref<1x128xi32, #tpu.memory_space<vmem>>
    %dma_start3A_109 = tpu.memref_squeeze %dma_start3A_108 : memref<1x128xi32, #tpu.memory_space<vmem>> -> memref<128xi32, #tpu.memory_space<vmem>>
    %dma_start3A_110 = arith.constant 0 : i32
    %dma_start3A_111 = arith.constant 0 : i32
    %dma_start3A_112 = tpu.memref_slice %arg6[%dma_start3A_110, %dma_start3A_111] : memref<524288x128xf32, #tpu.memory_space<hbm>> -> memref<524288x128xf32, #tpu.memory_space<hbm>>
    tpu.enqueue_indirect_dma source(%dma_start3A_106 : memref<128x128xf32, #tpu.memory_space<vmem>>) target(%dma_start3A_112 : memref<524288x128xf32, #tpu.memory_space<hbm>>) offsets(%dma_start3A_109 : memref<128xi32, #tpu.memory_space<vmem>>) semaphore(%arg10 : memref<!tpu.dma_semaphore, #tpu.memory_space<semaphore_mem>>)
    %dma_start3A_113 = arith.constant 3 : i32
    %dma_start3A_114 = arith.constant 384 : i32
    %dma_start3A_115 = arith.constant 0 : i32
    %dma_start3A_116 = tpu.memref_slice %arg9[%dma_start3A_114, %dma_start3A_115] : memref<512x128xf32, #tpu.memory_space<vmem>> -> memref<128x128xf32, #tpu.memory_space<vmem>>
    %dma_start3A_117 = arith.constant 0 : i32
    %dma_start3A_118 = tpu.memref_slice %arg7[%dma_start3A_113, %dma_start3A_117] : memref<4x128xi32, #tpu.memory_space<vmem>> -> memref<1x128xi32, #tpu.memory_space<vmem>>
    %dma_start3A_119 = tpu.memref_squeeze %dma_start3A_118 : memref<1x128xi32, #tpu.memory_space<vmem>> -> memref<128xi32, #tpu.memory_space<vmem>>
    %dma_start3A_120 = arith.constant 0 : i32
    %dma_start3A_121 = arith.constant 0 : i32
    %dma_start3A_122 = tpu.memref_slice %arg6[%dma_start3A_120, %dma_start3A_121] : memref<524288x128xf32, #tpu.memory_space<hbm>> -> memref<524288x128xf32, #tpu.memory_space<hbm>>
    tpu.enqueue_indirect_dma source(%dma_start3A_116 : memref<128x128xf32, #tpu.memory_space<vmem>>) target(%dma_start3A_122 : memref<524288x128xf32, #tpu.memory_space<hbm>>) offsets(%dma_start3A_119 : memref<128xi32, #tpu.memory_space<vmem>>) semaphore(%arg10 : memref<!tpu.dma_semaphore, #tpu.memory_space<semaphore_mem>>)
    %dma_wait3A_123 = arith.constant 0 : i32
    %dma_wait3A_124 = arith.constant 0 : i32
    %dma_wait3A_125 = arith.constant 0 : i32
    %dma_wait3A_126 = tpu.memref_slice %arg9[%dma_wait3A_124, %dma_wait3A_125] : memref<512x128xf32, #tpu.memory_space<vmem>> -> memref<128x128xf32, #tpu.memory_space<vmem>>
    %dma_wait3A_127 = arith.constant 0 : i32
    %dma_wait3A_128 = tpu.memref_slice %arg7[%dma_wait3A_123, %dma_wait3A_127] : memref<4x128xi32, #tpu.memory_space<vmem>> -> memref<1x128xi32, #tpu.memory_space<vmem>>
    %dma_wait3A_129 = tpu.memref_squeeze %dma_wait3A_128 : memref<1x128xi32, #tpu.memory_space<vmem>> -> memref<128xi32, #tpu.memory_space<vmem>>
    %dma_wait3A_130 = arith.constant 0 : i32
    %dma_wait3A_131 = arith.constant 0 : i32
    %dma_wait3A_132 = tpu.memref_slice %arg6[%dma_wait3A_130, %dma_wait3A_131] : memref<524288x128xf32, #tpu.memory_space<hbm>> -> memref<524288x128xf32, #tpu.memory_space<hbm>>
    tpu.wait_indirect_dma semaphore(%arg10 : memref<!tpu.dma_semaphore, #tpu.memory_space<semaphore_mem>>) src(%dma_wait3A_126 : memref<128x128xf32, #tpu.memory_space<vmem>>) dst(%dma_wait3A_132 : memref<524288x128xf32, #tpu.memory_space<hbm>>)
    %dma_wait3A_133 = arith.constant 1 : i32
    %dma_wait3A_134 = arith.constant 128 : i32
    %dma_wait3A_135 = arith.constant 0 : i32
    %dma_wait3A_136 = tpu.memref_slice %arg9[%dma_wait3A_134, %dma_wait3A_135] : memref<512x128xf32, #tpu.memory_space<vmem>> -> memref<128x128xf32, #tpu.memory_space<vmem>>
    %dma_wait3A_137 = arith.constant 0 : i32
    %dma_wait3A_138 = tpu.memref_slice %arg7[%dma_wait3A_133, %dma_wait3A_137] : memref<4x128xi32, #tpu.memory_space<vmem>> -> memref<1x128xi32, #tpu.memory_space<vmem>>
    %dma_wait3A_139 = tpu.memref_squeeze %dma_wait3A_138 : memref<1x128xi32, #tpu.memory_space<vmem>> -> memref<128xi32, #tpu.memory_space<vmem>>
    %dma_wait3A_140 = arith.constant 0 : i32
    %dma_wait3A_141 = arith.constant 0 : i32
    %dma_wait3A_142 = tpu.memref_slice %arg6[%dma_wait3A_140, %dma_wait3A_141] : memref<524288x128xf32, #tpu.memory_space<hbm>> -> memref<524288x128xf32, #tpu.memory_space<hbm>>
    tpu.wait_indirect_dma semaphore(%arg10 : memref<!tpu.dma_semaphore, #tpu.memory_space<semaphore_mem>>) src(%dma_wait3A_136 : memref<128x128xf32, #tpu.memory_space<vmem>>) dst(%dma_wait3A_142 : memref<524288x128xf32, #tpu.memory_space<hbm>>)
    %dma_wait3A_143 = arith.constant 2 : i32
    %dma_wait3A_144 = arith.constant 256 : i32
    %dma_wait3A_145 = arith.constant 0 : i32
    %dma_wait3A_146 = tpu.memref_slice %arg9[%dma_wait3A_144, %dma_wait3A_145] : memref<512x128xf32, #tpu.memory_space<vmem>> -> memref<128x128xf32, #tpu.memory_space<vmem>>
    %dma_wait3A_147 = arith.constant 0 : i32
    %dma_wait3A_148 = tpu.memref_slice %arg7[%dma_wait3A_143, %dma_wait3A_147] : memref<4x128xi32, #tpu.memory_space<vmem>> -> memref<1x128xi32, #tpu.memory_space<vmem>>
    %dma_wait3A_149 = tpu.memref_squeeze %dma_wait3A_148 : memref<1x128xi32, #tpu.memory_space<vmem>> -> memref<128xi32, #tpu.memory_space<vmem>>
    %dma_wait3A_150 = arith.constant 0 : i32
    %dma_wait3A_151 = arith.constant 0 : i32
    %dma_wait3A_152 = tpu.memref_slice %arg6[%dma_wait3A_150, %dma_wait3A_151] : memref<524288x128xf32, #tpu.memory_space<hbm>> -> memref<524288x128xf32, #tpu.memory_space<hbm>>
    tpu.wait_indirect_dma semaphore(%arg10 : memref<!tpu.dma_semaphore, #tpu.memory_space<semaphore_mem>>) src(%dma_wait3A_146 : memref<128x128xf32, #tpu.memory_space<vmem>>) dst(%dma_wait3A_152 : memref<524288x128xf32, #tpu.memory_space<hbm>>)
    %dma_wait3A_153 = arith.constant 3 : i32
    %dma_wait3A_154 = arith.constant 384 : i32
    %dma_wait3A_155 = arith.constant 0 : i32
    %dma_wait3A_156 = tpu.memref_slice %arg9[%dma_wait3A_154, %dma_wait3A_155] : memref<512x128xf32, #tpu.memory_space<vmem>> -> memref<128x128xf32, #tpu.memory_space<vmem>>
    %dma_wait3A_157 = arith.constant 0 : i32
    %dma_wait3A_158 = tpu.memref_slice %arg7[%dma_wait3A_153, %dma_wait3A_157] : memref<4x128xi32, #tpu.memory_space<vmem>> -> memref<1x128xi32, #tpu.memory_space<vmem>>
    %dma_wait3A_159 = tpu.memref_squeeze %dma_wait3A_158 : memref<1x128xi32, #tpu.memory_space<vmem>> -> memref<128xi32, #tpu.memory_space<vmem>>
    %dma_wait3A_160 = arith.constant 0 : i32
    %dma_wait3A_161 = arith.constant 0 : i32
    %dma_wait3A_162 = tpu.memref_slice %arg6[%dma_wait3A_160, %dma_wait3A_161] : memref<524288x128xf32, #tpu.memory_space<hbm>> -> memref<524288x128xf32, #tpu.memory_space<hbm>>
    tpu.wait_indirect_dma semaphore(%arg10 : memref<!tpu.dma_semaphore, #tpu.memory_space<semaphore_mem>>) src(%dma_wait3A_156 : memref<128x128xf32, #tpu.memory_space<vmem>>) dst(%dma_wait3A_162 : memref<524288x128xf32, #tpu.memory_space<hbm>>)
    return
  }
}

#map = affine_map<(d0, d1) -> (0, 0)>
module attributes {stable_mosaic.version = 14 : i64} {
  func.func @_sc_gather_body(%arg0: i32, %arg1: i32, %arg2: memref<524288x128xf32, #tpu.memory_space<hbm>>, %arg3: memref<128x128xi32, #tpu.memory_space<hbm>>, %arg4: memref<16384x128xf32, #tpu.memory_space<hbm>>, %arg5: memref<524288x128xf32, #tpu.memory_space<hbm>>, %arg6: memref<4x128xi32, #tpu.memory_space<vmem>>, %arg7: memref<512x128xf32, #tpu.memory_space<vmem>>, %arg8: memref<!tpu.dma_semaphore, #tpu.memory_space<semaphore_mem>>) attributes {dimension_semantics = [#tpu.dimension_semantics<core_parallel>, #tpu.dimension_semantics<subcore_parallel>], iteration_bounds = array<i64: 2, 16>, scalar_prefetch = 0 : i64, scratch_operands = 3 : i64, tpu.core_type = #tpu.core_type<sc_vector_subcore>, window_params = [{transform_indices = #map}, {transform_indices = #map}, {transform_indices = #map}, {transform_indices = #map}]} {
    %mul3A = arith.constant 2 : i32
    %mul3A_0 = arith.muli %arg1, %mul3A : i32
    %add3A = arith.addi %mul3A_0, %arg0 : i32
    %mul3A_1 = arith.constant 4 : i32
    %mul3A_2 = arith.muli %add3A, %mul3A_1 : i32
    "tpu.region"() ({
      %run_scoped3A = tpu.sem_alloc : memref<!tpu.dma_semaphore, #tpu.memory_space<semaphore_mem>>
      %dma_start3A_83 = arith.constant 0 : i32
      %dma_start3A_84 = tpu.memref_slice %arg3[%mul3A_2, %dma_start3A_83] : memref<128x128xi32, #tpu.memory_space<hbm>> -> memref<4x128xi32, #tpu.memory_space<hbm>>
      %dma_start3A_85 = arith.constant 0 : i32
      %dma_start3A_86 = tpu.memref_slice %arg3[%mul3A_2, %dma_start3A_85] : memref<128x128xi32, #tpu.memory_space<hbm>> -> memref<4x128xi32, #tpu.memory_space<hbm>>
      tpu.enqueue_dma source(%dma_start3A_86 : memref<4x128xi32, #tpu.memory_space<hbm>>) target(%arg6 : memref<4x128xi32, #tpu.memory_space<vmem>>) target_semaphore(%run_scoped3A : memref<!tpu.dma_semaphore, #tpu.memory_space<semaphore_mem>>)
      %dma_wait3A_87 = arith.constant 0 : i32
      %dma_wait3A_88 = tpu.memref_slice %arg3[%mul3A_2, %dma_wait3A_87] : memref<128x128xi32, #tpu.memory_space<hbm>> -> memref<4x128xi32, #tpu.memory_space<hbm>>
      %dma_wait3A_89 = arith.constant 0 : i32
      %dma_wait3A_90 = tpu.memref_slice %arg3[%mul3A_2, %dma_wait3A_89] : memref<128x128xi32, #tpu.memory_space<hbm>> -> memref<4x128xi32, #tpu.memory_space<hbm>>
      tpu.wait_dma2 semaphore(%run_scoped3A : memref<!tpu.dma_semaphore, #tpu.memory_space<semaphore_mem>>) src(%dma_wait3A_90 : memref<4x128xi32, #tpu.memory_space<hbm>>) dst(%arg6 : memref<4x128xi32, #tpu.memory_space<vmem>>)
      tpu.yield
    }) : () -> ()
    %dma_start3A = arith.constant 0 : i32
    %dma_start3A_3 = arith.constant 0 : i32
    %dma_start3A_4 = arith.constant 0 : i32
    %dma_start3A_5 = tpu.memref_slice %arg7[%dma_start3A_3, %dma_start3A_4] : memref<512x128xf32, #tpu.memory_space<vmem>> -> memref<128x128xf32, #tpu.memory_space<vmem>>
    %dma_start3A_6 = arith.constant 0 : i32
    %dma_start3A_7 = tpu.memref_slice %arg6[%dma_start3A, %dma_start3A_6] : memref<4x128xi32, #tpu.memory_space<vmem>> -> memref<1x128xi32, #tpu.memory_space<vmem>>
    %dma_start3A_8 = tpu.memref_squeeze %dma_start3A_7 : memref<1x128xi32, #tpu.memory_space<vmem>> -> memref<128xi32, #tpu.memory_space<vmem>>
    %dma_start3A_9 = arith.constant 0 : i32
    %dma_start3A_10 = arith.constant 0 : i32
    %dma_start3A_11 = tpu.memref_slice %arg2[%dma_start3A_9, %dma_start3A_10] : memref<524288x128xf32, #tpu.memory_space<hbm>> -> memref<524288x128xf32, #tpu.memory_space<hbm>>
    tpu.enqueue_indirect_dma source(%dma_start3A_11 : memref<524288x128xf32, #tpu.memory_space<hbm>>) target(%dma_start3A_5 : memref<128x128xf32, #tpu.memory_space<vmem>>) offsets(%dma_start3A_8 : memref<128xi32, #tpu.memory_space<vmem>>) semaphore(%arg8 : memref<!tpu.dma_semaphore, #tpu.memory_space<semaphore_mem>>)
    %dma_start3A_12 = arith.constant 1 : i32
    %dma_start3A_13 = arith.constant 128 : i32
    %dma_start3A_14 = arith.constant 0 : i32
    %dma_start3A_15 = tpu.memref_slice %arg7[%dma_start3A_13, %dma_start3A_14] : memref<512x128xf32, #tpu.memory_space<vmem>> -> memref<128x128xf32, #tpu.memory_space<vmem>>
    %dma_start3A_16 = arith.constant 0 : i32
    %dma_start3A_17 = tpu.memref_slice %arg6[%dma_start3A_12, %dma_start3A_16] : memref<4x128xi32, #tpu.memory_space<vmem>> -> memref<1x128xi32, #tpu.memory_space<vmem>>
    %dma_start3A_18 = tpu.memref_squeeze %dma_start3A_17 : memref<1x128xi32, #tpu.memory_space<vmem>> -> memref<128xi32, #tpu.memory_space<vmem>>
    %dma_start3A_19 = arith.constant 0 : i32
    %dma_start3A_20 = arith.constant 0 : i32
    %dma_start3A_21 = tpu.memref_slice %arg2[%dma_start3A_19, %dma_start3A_20] : memref<524288x128xf32, #tpu.memory_space<hbm>> -> memref<524288x128xf32, #tpu.memory_space<hbm>>
    tpu.enqueue_indirect_dma source(%dma_start3A_21 : memref<524288x128xf32, #tpu.memory_space<hbm>>) target(%dma_start3A_15 : memref<128x128xf32, #tpu.memory_space<vmem>>) offsets(%dma_start3A_18 : memref<128xi32, #tpu.memory_space<vmem>>) semaphore(%arg8 : memref<!tpu.dma_semaphore, #tpu.memory_space<semaphore_mem>>)
    %dma_start3A_22 = arith.constant 2 : i32
    %dma_start3A_23 = arith.constant 256 : i32
    %dma_start3A_24 = arith.constant 0 : i32
    %dma_start3A_25 = tpu.memref_slice %arg7[%dma_start3A_23, %dma_start3A_24] : memref<512x128xf32, #tpu.memory_space<vmem>> -> memref<128x128xf32, #tpu.memory_space<vmem>>
    %dma_start3A_26 = arith.constant 0 : i32
    %dma_start3A_27 = tpu.memref_slice %arg6[%dma_start3A_22, %dma_start3A_26] : memref<4x128xi32, #tpu.memory_space<vmem>> -> memref<1x128xi32, #tpu.memory_space<vmem>>
    %dma_start3A_28 = tpu.memref_squeeze %dma_start3A_27 : memref<1x128xi32, #tpu.memory_space<vmem>> -> memref<128xi32, #tpu.memory_space<vmem>>
    %dma_start3A_29 = arith.constant 0 : i32
    %dma_start3A_30 = arith.constant 0 : i32
    %dma_start3A_31 = tpu.memref_slice %arg2[%dma_start3A_29, %dma_start3A_30] : memref<524288x128xf32, #tpu.memory_space<hbm>> -> memref<524288x128xf32, #tpu.memory_space<hbm>>
    tpu.enqueue_indirect_dma source(%dma_start3A_31 : memref<524288x128xf32, #tpu.memory_space<hbm>>) target(%dma_start3A_25 : memref<128x128xf32, #tpu.memory_space<vmem>>) offsets(%dma_start3A_28 : memref<128xi32, #tpu.memory_space<vmem>>) semaphore(%arg8 : memref<!tpu.dma_semaphore, #tpu.memory_space<semaphore_mem>>)
    %dma_start3A_32 = arith.constant 3 : i32
    %dma_start3A_33 = arith.constant 384 : i32
    %dma_start3A_34 = arith.constant 0 : i32
    %dma_start3A_35 = tpu.memref_slice %arg7[%dma_start3A_33, %dma_start3A_34] : memref<512x128xf32, #tpu.memory_space<vmem>> -> memref<128x128xf32, #tpu.memory_space<vmem>>
    %dma_start3A_36 = arith.constant 0 : i32
    %dma_start3A_37 = tpu.memref_slice %arg6[%dma_start3A_32, %dma_start3A_36] : memref<4x128xi32, #tpu.memory_space<vmem>> -> memref<1x128xi32, #tpu.memory_space<vmem>>
    %dma_start3A_38 = tpu.memref_squeeze %dma_start3A_37 : memref<1x128xi32, #tpu.memory_space<vmem>> -> memref<128xi32, #tpu.memory_space<vmem>>
    %dma_start3A_39 = arith.constant 0 : i32
    %dma_start3A_40 = arith.constant 0 : i32
    %dma_start3A_41 = tpu.memref_slice %arg2[%dma_start3A_39, %dma_start3A_40] : memref<524288x128xf32, #tpu.memory_space<hbm>> -> memref<524288x128xf32, #tpu.memory_space<hbm>>
    tpu.enqueue_indirect_dma source(%dma_start3A_41 : memref<524288x128xf32, #tpu.memory_space<hbm>>) target(%dma_start3A_35 : memref<128x128xf32, #tpu.memory_space<vmem>>) offsets(%dma_start3A_38 : memref<128xi32, #tpu.memory_space<vmem>>) semaphore(%arg8 : memref<!tpu.dma_semaphore, #tpu.memory_space<semaphore_mem>>)
    %dma_wait3A = arith.constant 0 : i32
    %dma_wait3A_42 = arith.constant 0 : i32
    %dma_wait3A_43 = arith.constant 0 : i32
    %dma_wait3A_44 = tpu.memref_slice %arg7[%dma_wait3A_42, %dma_wait3A_43] : memref<512x128xf32, #tpu.memory_space<vmem>> -> memref<128x128xf32, #tpu.memory_space<vmem>>
    %dma_wait3A_45 = arith.constant 0 : i32
    %dma_wait3A_46 = tpu.memref_slice %arg6[%dma_wait3A, %dma_wait3A_45] : memref<4x128xi32, #tpu.memory_space<vmem>> -> memref<1x128xi32, #tpu.memory_space<vmem>>
    %dma_wait3A_47 = tpu.memref_squeeze %dma_wait3A_46 : memref<1x128xi32, #tpu.memory_space<vmem>> -> memref<128xi32, #tpu.memory_space<vmem>>
    %dma_wait3A_48 = arith.constant 0 : i32
    %dma_wait3A_49 = arith.constant 0 : i32
    %dma_wait3A_50 = tpu.memref_slice %arg2[%dma_wait3A_48, %dma_wait3A_49] : memref<524288x128xf32, #tpu.memory_space<hbm>> -> memref<524288x128xf32, #tpu.memory_space<hbm>>
    tpu.wait_indirect_dma semaphore(%arg8 : memref<!tpu.dma_semaphore, #tpu.memory_space<semaphore_mem>>) src(%dma_wait3A_50 : memref<524288x128xf32, #tpu.memory_space<hbm>>) dst(%dma_wait3A_44 : memref<128x128xf32, #tpu.memory_space<vmem>>)
    %dma_wait3A_51 = arith.constant 1 : i32
    %dma_wait3A_52 = arith.constant 128 : i32
    %dma_wait3A_53 = arith.constant 0 : i32
    %dma_wait3A_54 = tpu.memref_slice %arg7[%dma_wait3A_52, %dma_wait3A_53] : memref<512x128xf32, #tpu.memory_space<vmem>> -> memref<128x128xf32, #tpu.memory_space<vmem>>
    %dma_wait3A_55 = arith.constant 0 : i32
    %dma_wait3A_56 = tpu.memref_slice %arg6[%dma_wait3A_51, %dma_wait3A_55] : memref<4x128xi32, #tpu.memory_space<vmem>> -> memref<1x128xi32, #tpu.memory_space<vmem>>
    %dma_wait3A_57 = tpu.memref_squeeze %dma_wait3A_56 : memref<1x128xi32, #tpu.memory_space<vmem>> -> memref<128xi32, #tpu.memory_space<vmem>>
    %dma_wait3A_58 = arith.constant 0 : i32
    %dma_wait3A_59 = arith.constant 0 : i32
    %dma_wait3A_60 = tpu.memref_slice %arg2[%dma_wait3A_58, %dma_wait3A_59] : memref<524288x128xf32, #tpu.memory_space<hbm>> -> memref<524288x128xf32, #tpu.memory_space<hbm>>
    tpu.wait_indirect_dma semaphore(%arg8 : memref<!tpu.dma_semaphore, #tpu.memory_space<semaphore_mem>>) src(%dma_wait3A_60 : memref<524288x128xf32, #tpu.memory_space<hbm>>) dst(%dma_wait3A_54 : memref<128x128xf32, #tpu.memory_space<vmem>>)
    %dma_wait3A_61 = arith.constant 2 : i32
    %dma_wait3A_62 = arith.constant 256 : i32
    %dma_wait3A_63 = arith.constant 0 : i32
    %dma_wait3A_64 = tpu.memref_slice %arg7[%dma_wait3A_62, %dma_wait3A_63] : memref<512x128xf32, #tpu.memory_space<vmem>> -> memref<128x128xf32, #tpu.memory_space<vmem>>
    %dma_wait3A_65 = arith.constant 0 : i32
    %dma_wait3A_66 = tpu.memref_slice %arg6[%dma_wait3A_61, %dma_wait3A_65] : memref<4x128xi32, #tpu.memory_space<vmem>> -> memref<1x128xi32, #tpu.memory_space<vmem>>
    %dma_wait3A_67 = tpu.memref_squeeze %dma_wait3A_66 : memref<1x128xi32, #tpu.memory_space<vmem>> -> memref<128xi32, #tpu.memory_space<vmem>>
    %dma_wait3A_68 = arith.constant 0 : i32
    %dma_wait3A_69 = arith.constant 0 : i32
    %dma_wait3A_70 = tpu.memref_slice %arg2[%dma_wait3A_68, %dma_wait3A_69] : memref<524288x128xf32, #tpu.memory_space<hbm>> -> memref<524288x128xf32, #tpu.memory_space<hbm>>
    tpu.wait_indirect_dma semaphore(%arg8 : memref<!tpu.dma_semaphore, #tpu.memory_space<semaphore_mem>>) src(%dma_wait3A_70 : memref<524288x128xf32, #tpu.memory_space<hbm>>) dst(%dma_wait3A_64 : memref<128x128xf32, #tpu.memory_space<vmem>>)
    %dma_wait3A_71 = arith.constant 3 : i32
    %dma_wait3A_72 = arith.constant 384 : i32
    %dma_wait3A_73 = arith.constant 0 : i32
    %dma_wait3A_74 = tpu.memref_slice %arg7[%dma_wait3A_72, %dma_wait3A_73] : memref<512x128xf32, #tpu.memory_space<vmem>> -> memref<128x128xf32, #tpu.memory_space<vmem>>
    %dma_wait3A_75 = arith.constant 0 : i32
    %dma_wait3A_76 = tpu.memref_slice %arg6[%dma_wait3A_71, %dma_wait3A_75] : memref<4x128xi32, #tpu.memory_space<vmem>> -> memref<1x128xi32, #tpu.memory_space<vmem>>
    %dma_wait3A_77 = tpu.memref_squeeze %dma_wait3A_76 : memref<1x128xi32, #tpu.memory_space<vmem>> -> memref<128xi32, #tpu.memory_space<vmem>>
    %dma_wait3A_78 = arith.constant 0 : i32
    %dma_wait3A_79 = arith.constant 0 : i32
    %dma_wait3A_80 = tpu.memref_slice %arg2[%dma_wait3A_78, %dma_wait3A_79] : memref<524288x128xf32, #tpu.memory_space<hbm>> -> memref<524288x128xf32, #tpu.memory_space<hbm>>
    tpu.wait_indirect_dma semaphore(%arg8 : memref<!tpu.dma_semaphore, #tpu.memory_space<semaphore_mem>>) src(%dma_wait3A_80 : memref<524288x128xf32, #tpu.memory_space<hbm>>) dst(%dma_wait3A_74 : memref<128x128xf32, #tpu.memory_space<vmem>>)
    %mul3A_81 = arith.constant 512 : i32
    %mul3A_82 = arith.muli %add3A, %mul3A_81 : i32
    "tpu.region"() ({
      %run_scoped3A = tpu.sem_alloc : memref<!tpu.dma_semaphore, #tpu.memory_space<semaphore_mem>>
      %dma_start3A_83 = arith.constant 0 : i32
      %dma_start3A_84 = tpu.memref_slice %arg4[%mul3A_82, %dma_start3A_83] : memref<16384x128xf32, #tpu.memory_space<hbm>> -> memref<512x128xf32, #tpu.memory_space<hbm>>
      %dma_start3A_85 = arith.constant 0 : i32
      %dma_start3A_86 = tpu.memref_slice %arg4[%mul3A_82, %dma_start3A_85] : memref<16384x128xf32, #tpu.memory_space<hbm>> -> memref<512x128xf32, #tpu.memory_space<hbm>>
      tpu.enqueue_dma source(%arg7 : memref<512x128xf32, #tpu.memory_space<vmem>>) target(%dma_start3A_86 : memref<512x128xf32, #tpu.memory_space<hbm>>) target_semaphore(%run_scoped3A : memref<!tpu.dma_semaphore, #tpu.memory_space<semaphore_mem>>)
      %dma_wait3A_87 = arith.constant 0 : i32
      %dma_wait3A_88 = tpu.memref_slice %arg4[%mul3A_82, %dma_wait3A_87] : memref<16384x128xf32, #tpu.memory_space<hbm>> -> memref<512x128xf32, #tpu.memory_space<hbm>>
      %dma_wait3A_89 = arith.constant 0 : i32
      %dma_wait3A_90 = tpu.memref_slice %arg4[%mul3A_82, %dma_wait3A_89] : memref<16384x128xf32, #tpu.memory_space<hbm>> -> memref<512x128xf32, #tpu.memory_space<hbm>>
      tpu.wait_dma2 semaphore(%run_scoped3A : memref<!tpu.dma_semaphore, #tpu.memory_space<semaphore_mem>>) src(%arg7 : memref<512x128xf32, #tpu.memory_space<vmem>>) dst(%dma_wait3A_90 : memref<512x128xf32, #tpu.memory_space<hbm>>)
      tpu.yield
    }) : () -> ()
    return
  }
}

#map = affine_map<(d0, d1) -> (0, 0)>
#map1 = affine_map<(d0, d1) -> (0)>
module attributes {stable_mosaic.version = 14 : i64} {
  func.func @_sc_zero_body(%arg0: i32, %arg1: i32, %arg2: memref<524288x128xf32, #tpu.memory_space<hbm>>, %arg3: memref<64xi32, #tpu.memory_space<hbm>>, %arg4: memref<64x128xf32, #tpu.memory_space<hbm>>, %arg5: memref<524288x128xf32, #tpu.memory_space<hbm>>, %arg6: memref<64xi32, #tpu.memory_space<vmem>>, %arg7: memref<64x128xf32, #tpu.memory_space<vmem>>) attributes {dimension_semantics = [#tpu.dimension_semantics<core_parallel>, #tpu.dimension_semantics<subcore_parallel>], iteration_bounds = array<i64: 2, 16>, scalar_prefetch = 0 : i64, scratch_operands = 2 : i64, tpu.core_type = #tpu.core_type<sc_vector_subcore>, window_params = [{transform_indices = #map}, {transform_indices = #map1}, {transform_indices = #map}, {transform_indices = #map}]} {
    %mul3A = arith.constant 2 : i32
    %mul3A_0 = arith.muli %arg1, %mul3A : i32
    %add3A = arith.addi %mul3A_0, %arg0 : i32
    %eq3A = arith.constant 0 : i32
    %eq3A_1 = arith.cmpi eq, %add3A, %eq3A : i32
    %convert_element_type3A = arith.extui %eq3A_1 : i1 to i32
    %cond3A = arith.constant 0 : i32
    %cond3A_2 = arith.cmpi ne, %convert_element_type3A, %cond3A : i32
    scf.if %cond3A_2 {
      "tpu.region"() ({
        %run_scoped3A = tpu.sem_alloc : memref<!tpu.dma_semaphore, #tpu.memory_space<semaphore_mem>>
        tpu.enqueue_dma source(%arg3 : memref<64xi32, #tpu.memory_space<hbm>>) target(%arg6 : memref<64xi32, #tpu.memory_space<vmem>>) target_semaphore(%run_scoped3A : memref<!tpu.dma_semaphore, #tpu.memory_space<semaphore_mem>>)
        tpu.wait_dma2 semaphore(%run_scoped3A : memref<!tpu.dma_semaphore, #tpu.memory_space<semaphore_mem>>) src(%arg3 : memref<64xi32, #tpu.memory_space<hbm>>) dst(%arg6 : memref<64xi32, #tpu.memory_space<vmem>>)
        tpu.yield
      }) : () -> ()
      "tpu.region"() ({
        %run_scoped3A = tpu.sem_alloc : memref<!tpu.dma_semaphore, #tpu.memory_space<semaphore_mem>>
        tpu.enqueue_dma source(%arg4 : memref<64x128xf32, #tpu.memory_space<hbm>>) target(%arg7 : memref<64x128xf32, #tpu.memory_space<vmem>>) target_semaphore(%run_scoped3A : memref<!tpu.dma_semaphore, #tpu.memory_space<semaphore_mem>>)
        tpu.wait_dma2 semaphore(%run_scoped3A : memref<!tpu.dma_semaphore, #tpu.memory_space<semaphore_mem>>) src(%arg4 : memref<64x128xf32, #tpu.memory_space<hbm>>) dst(%arg7 : memref<64x128xf32, #tpu.memory_space<vmem>>)
        tpu.yield
      }) : () -> ()
      "tpu.region"() ({
        %run_scoped3A = tpu.sem_alloc : memref<!tpu.dma_semaphore, #tpu.memory_space<semaphore_mem>>
        %dma_start3A = arith.constant 0 : i32
        %dma_start3A_3 = arith.constant 0 : i32
        %dma_start3A_4 = tpu.memref_slice %arg5[%dma_start3A, %dma_start3A_3] : memref<524288x128xf32, #tpu.memory_space<hbm>> -> memref<524288x128xf32, #tpu.memory_space<hbm>>
        tpu.enqueue_indirect_dma source(%arg7 : memref<64x128xf32, #tpu.memory_space<vmem>>) target(%dma_start3A_4 : memref<524288x128xf32, #tpu.memory_space<hbm>>) offsets(%arg6 : memref<64xi32, #tpu.memory_space<vmem>>) semaphore(%run_scoped3A : memref<!tpu.dma_semaphore, #tpu.memory_space<semaphore_mem>>)
        %dma_wait3A = arith.constant 0 : i32
        %dma_wait3A_5 = arith.constant 0 : i32
        %dma_wait3A_6 = tpu.memref_slice %arg5[%dma_wait3A, %dma_wait3A_5] : memref<524288x128xf32, #tpu.memory_space<hbm>> -> memref<524288x128xf32, #tpu.memory_space<hbm>>
        tpu.wait_indirect_dma semaphore(%run_scoped3A : memref<!tpu.dma_semaphore, #tpu.memory_space<semaphore_mem>>) src(%arg7 : memref<64x128xf32, #tpu.memory_space<vmem>>) dst(%dma_wait3A_6 : memref<524288x128xf32, #tpu.memory_space<hbm>>)
        tpu.yield
      }) : () -> ()
    } else {
    }
    return
  }
}

module attributes {stable_mosaic.version = 14 : i64} {
  func.func @_widen_body(%arg0: i32, %arg1: memref<64x4096xf32, #tpu.memory_space<vmem>>, %arg2: memref<64x64xf32, #tpu.memory_space<vmem>>, %arg3: memref<4096x128xf32, #tpu.memory_space<vmem>>) attributes {dimension_semantics = [#tpu.dimension_semantics<arbitrary>], iteration_bounds = array<i64: 128>, scalar_prefetch = 0 : i64, scratch_operands = 0 : i64, tpu.core_type = #tpu.core_type<tc>, window_params = [{transform_indices = @transform_0, window_bounds = array<i64: 64, 4096>}, {pipeline_mode = #tpu.pipeline_mode<synchronous>, transform_indices = @transform_1, window_bounds = array<i64: 64, 64>}, {transform_indices = @transform_2, window_bounds = array<i64: 4096, 128>}]} {
    %get3A = arith.constant 0 : index
    %get3A_0 = arith.constant 0 : index
    %get3A_1 = vector.load %arg1[%get3A, %get3A_0] : memref<64x4096xf32, #tpu.memory_space<vmem>>, vector<64x4096xf32>
    %transpose3A = tpu.transpose %get3A_1, [1, 0] : vector<64x4096xf32> -> vector<4096x64xf32>
    %swap3A = arith.constant 0 : index
    %swap3A_2 = arith.constant 0 : index
    %swap3A_3 = vector.load %arg3[%swap3A, %swap3A_2] : memref<4096x128xf32, #tpu.memory_space<vmem>>, vector<4096x64xf32>
    tpu.vector_store %arg3[%swap3A, %swap3A_2], %transpose3A {strides = array<i32>} : memref<4096x128xf32, #tpu.memory_space<vmem>>, vector<4096x64xf32>,
    return
  }
  func.func @transform_0(%arg0: i32) -> (i32, i32) {
    %c0_i32 = arith.constant 0 : i32
    %c0_i32_0 = arith.constant 0 : i32
    return %c0_i32, %arg0 : i32, i32
  }
  func.func @transform_1(%arg0: i32) -> (i32, i32) {
    %c0_i32 = arith.constant 0 : i32
    %c0_i32_0 = arith.constant 0 : i32
    %c0_i32_1 = arith.constant 0 : i32
    return %c0_i32, %c0_i32_0 : i32, i32
  }
  func.func @transform_2(%arg0: i32) -> (i32, i32) {
    %c0_i32 = arith.constant 0 : i32
    %c0_i32_0 = arith.constant 0 : i32
    return %arg0, %c0_i32 : i32, i32
  }
}

module attributes {stable_mosaic.version = 14 : i64} {
  func.func @_gru_body(%arg0: i32, %arg1: memref<2048x64xf32, #tpu.memory_space<vmem>>, %arg2: memref<2048x128xf32, #tpu.memory_space<vmem>>, %arg3: memref<192x64xf32, #tpu.memory_space<vmem>>, %arg4: memref<192x64xf32, #tpu.memory_space<vmem>>, %arg5: memref<1x192xf32, #tpu.memory_space<vmem>>, %arg6: memref<1x192xf32, #tpu.memory_space<vmem>>, %arg7: memref<2048x128xf32, #tpu.memory_space<vmem>>) attributes {dimension_semantics = [#tpu.dimension_semantics<arbitrary>], iteration_bounds = array<i64: 8>, scalar_prefetch = 0 : i64, scratch_operands = 0 : i64, tpu.core_type = #tpu.core_type<tc>, window_params = [{transform_indices = @transform_0, window_bounds = array<i64: 2048, 64>}, {transform_indices = @transform_1, window_bounds = array<i64: 2048, 128>}, {pipeline_mode = #tpu.pipeline_mode<synchronous>, transform_indices = @transform_2, window_bounds = array<i64: 192, 64>}, {pipeline_mode = #tpu.pipeline_mode<synchronous>, transform_indices = @transform_3, window_bounds = array<i64: 192, 64>}, {pipeline_mode = #tpu.pipeline_mode<synchronous>, transform_indices = @transform_4, window_bounds = array<i64: 1, 192>}, {pipeline_mode = #tpu.pipeline_mode<synchronous>, transform_indices = @transform_5, window_bounds = array<i64: 1, 192>}, {transform_indices = @transform_6, window_bounds = array<i64: 2048, 128>}]} {
    %get3A = arith.constant 0 : index
    %get3A_0 = arith.constant 0 : index
    %get3A_1 = vector.load %arg1[%get3A, %get3A_0] : memref<2048x64xf32, #tpu.memory_space<vmem>>, vector<2048x64xf32>
    %get3A_2 = arith.constant 0 : index
    %get3A_3 = arith.constant 0 : index
    %get3A_4 = vector.load %arg2[%get3A_2, %get3A_3] : memref<2048x128xf32, #tpu.memory_space<vmem>>, vector<2048x64xf32>
    %get3A_5 = arith.constant 0 : index
    %get3A_6 = arith.constant 0 : index
    %get3A_7 = vector.load %arg3[%get3A_5, %get3A_6] : memref<192x64xf32, #tpu.memory_space<vmem>>, vector<192x64xf32>
    %dot_general3A = arith.constant dense<0.000000e+00> : vector<2048x192xf32>
    %dot_general3A_8 = tpu.matmul %get3A_1, %get3A_7, %dot_general3A {dimension_numbers = #tpu.dot_dimension_numbers<[1], [1], [0], [0], [0, 0, 1, 0], [], []>, transpose_lhs_hint = false} : vector<2048x64xf32>, vector<192x64xf32>, vector<2048x192xf32> -> vector<2048x192xf32>
    %get3A_9 = arith.constant 0 : index
    %get3A_10 = arith.constant 0 : index
    %get3A_11 = vector.load %arg5[%get3A_9, %get3A_10] : memref<1x192xf32, #tpu.memory_space<vmem>>, vector<1x192xf32>
    %add3A = vector.broadcast %get3A_11 : vector<1x192xf32> to vector<2048x192xf32>
    %add3A_12 = arith.addf %dot_general3A_8, %add3A : vector<2048x192xf32>
    %get3A_13 = arith.constant 0 : index
    %get3A_14 = arith.constant 0 : index
    %get3A_15 = vector.load %arg4[%get3A_13, %get3A_14] : memref<192x64xf32, #tpu.memory_space<vmem>>, vector<192x64xf32>
    %dot_general3A_16 = arith.constant dense<0.000000e+00> : vector<2048x192xf32>
    %dot_general3A_17 = tpu.matmul %get3A_4, %get3A_15, %dot_general3A_16 {dimension_numbers = #tpu.dot_dimension_numbers<[1], [1], [0], [0], [0, 0, 1, 0], [], []>, transpose_lhs_hint = false} : vector<2048x64xf32>, vector<192x64xf32>, vector<2048x192xf32> -> vector<2048x192xf32>
    %get3A_18 = arith.constant 0 : index
    %get3A_19 = arith.constant 0 : index
    %get3A_20 = vector.load %arg6[%get3A_18, %get3A_19] : memref<1x192xf32, #tpu.memory_space<vmem>>, vector<1x192xf32>
    %add3A_21 = vector.broadcast %get3A_20 : vector<1x192xf32> to vector<2048x192xf32>
    %add3A_22 = arith.addf %dot_general3A_17, %add3A_21 : vector<2048x192xf32>
    %slice3A = vector.extract_strided_slice %add3A_12 {offsets = [0, 0], sizes = [2048, 64], strides = [1, 1]} : vector<2048x192xf32> to vector<2048x64xf32>
    %slice3A_23 = vector.extract_strided_slice %add3A_12 {offsets = [0, 64], sizes = [2048, 64], strides = [1, 1]} : vector<2048x192xf32> to vector<2048x64xf32>
    %slice3A_24 = vector.extract_strided_slice %add3A_12 {offsets = [0, 128], sizes = [2048, 64], strides = [1, 1]} : vector<2048x192xf32> to vector<2048x64xf32>
    %slice3A_25 = vector.extract_strided_slice %add3A_22 {offsets = [0, 0], sizes = [2048, 64], strides = [1, 1]} : vector<2048x192xf32> to vector<2048x64xf32>
    %slice3A_26 = vector.extract_strided_slice %add3A_22 {offsets = [0, 64], sizes = [2048, 64], strides = [1, 1]} : vector<2048x192xf32> to vector<2048x64xf32>
    %slice3A_27 = vector.extract_strided_slice %add3A_22 {offsets = [0, 128], sizes = [2048, 64], strides = [1, 1]} : vector<2048x192xf32> to vector<2048x64xf32>
    %add3A_28 = arith.addf %slice3A, %slice3A_25 : vector<2048x64xf32>
    %logistic3A = arith.negf %add3A_28 : vector<2048x64xf32>
    %logistic3A_29 = math.exp %logistic3A : vector<2048x64xf32>
    %logistic3A_30 = arith.constant 1.000000e+00 : f32
    %logistic3A_31 = vector.broadcast %logistic3A_30 : f32 to vector<2048x64xf32>
    %logistic3A_32 = arith.addf %logistic3A_31, %logistic3A_29 : vector<2048x64xf32>
    %logistic3A_33 = arith.divf %logistic3A_31, %logistic3A_32 : vector<2048x64xf32>
    %add3A_34 = arith.addf %slice3A_23, %slice3A_26 : vector<2048x64xf32>
    %logistic3A_35 = arith.negf %add3A_34 : vector<2048x64xf32>
    %logistic3A_36 = math.exp %logistic3A_35 : vector<2048x64xf32>
    %logistic3A_37 = arith.constant 1.000000e+00 : f32
    %logistic3A_38 = vector.broadcast %logistic3A_37 : f32 to vector<2048x64xf32>
    %logistic3A_39 = arith.addf %logistic3A_38, %logistic3A_36 : vector<2048x64xf32>
    %logistic3A_40 = arith.divf %logistic3A_38, %logistic3A_39 : vector<2048x64xf32>
    %mul3A = arith.mulf %logistic3A_33, %slice3A_27 : vector<2048x64xf32>
    %add3A_41 = arith.addf %slice3A_24, %mul3A : vector<2048x64xf32>
    %tanh3A = math.tanh %add3A_41 : vector<2048x64xf32>
    %sub3A = arith.constant 1.000000e+00 : f32
    %sub3A_42 = vector.broadcast %sub3A : f32 to vector<2048x64xf32>
    %sub3A_43 = arith.subf %sub3A_42, %logistic3A_40 : vector<2048x64xf32>
    %mul3A_44 = arith.mulf %sub3A_43, %tanh3A : vector<2048x64xf32>
    %mul3A_45 = arith.mulf %logistic3A_40, %get3A_4 : vector<2048x64xf32>
    %add3A_46 = arith.addf %mul3A_44, %mul3A_45 : vector<2048x64xf32>
    %broadcast_in_dim3A = arith.constant 0.000000e+00 : f32
    %broadcast_in_dim3A_47 = vector.broadcast %broadcast_in_dim3A : f32 to vector<2048x64xf32>
    %concatenate3A = tpu.concatenate %add3A_46, %broadcast_in_dim3A_47 in 1 : vector<2048x64xf32>, vector<2048x64xf32> -> vector<2048x128xf32>
    %swap3A = arith.constant 0 : index
    %swap3A_48 = arith.constant 0 : index
    %swap3A_49 = vector.load %arg7[%swap3A, %swap3A_48] : memref<2048x128xf32, #tpu.memory_space<vmem>>, vector<2048x128xf32>
    tpu.vector_store %arg7[%swap3A, %swap3A_48], %concatenate3A {strides = array<i32>} : memref<2048x128xf32, #tpu.memory_space<vmem>>, vector<2048x128xf32>,
    return
  }
  func.func @transform_0(%arg0: i32) -> (i32, i32) {
    %c0_i32 = arith.constant 0 : i32
    %c0_i32_0 = arith.constant 0 : i32
    return %arg0, %c0_i32 : i32, i32
  }
  func.func @transform_1(%arg0: i32) -> (i32, i32) {
    %c0_i32 = arith.constant 0 : i32
    %c0_i32_0 = arith.constant 0 : i32
    return %arg0, %c0_i32 : i32, i32
  }
  func.func @transform_2(%arg0: i32) -> (i32, i32) {
    %c0_i32 = arith.constant 0 : i32
    %c0_i32_0 = arith.constant 0 : i32
    %c0_i32_1 = arith.constant 0 : i32
    return %c0_i32, %c0_i32_0 : i32, i32
  }
  func.func @transform_3(%arg0: i32) -> (i32, i32) {
    %c0_i32 = arith.constant 0 : i32
    %c0_i32_0 = arith.constant 0 : i32
    %c0_i32_1 = arith.constant 0 : i32
    return %c0_i32, %c0_i32_0 : i32, i32
  }
  func.func @transform_4(%arg0: i32) -> (i32, i32) {
    %c0_i32 = arith.constant 0 : i32
    %c0_i32_0 = arith.constant 0 : i32
    %c0_i32_1 = arith.constant 0 : i32
    return %c0_i32, %c0_i32_0 : i32, i32
  }
  func.func @transform_5(%arg0: i32) -> (i32, i32) {
    %c0_i32 = arith.constant 0 : i32
    %c0_i32_0 = arith.constant 0 : i32
    %c0_i32_1 = arith.constant 0 : i32
    return %c0_i32, %c0_i32_0 : i32, i32
  }
  func.func @transform_6(%arg0: i32) -> (i32, i32) {
    %c0_i32 = arith.constant 0 : i32
    %c0_i32_0 = arith.constant 0 : i32
    return %arg0, %c0_i32 : i32, i32
  }
}

</mosaic_0001>

<sc_bundles>
// kernel: kernel.10.cloned.1.call-start
scs
__scs_entry_jumppad:
0x0: {  	(pc) =	sbr.rel $0x88, $3  }
0x1: {  	(tag) =	ssettag $0x0;
	lr =	simm.s32 $0x1  }
0x2: {  	[smem:$0x3F98] =	sst lr;
	_ =	strace $0xD0000000  }
0x3: {  	_ = 	snop  }
0x4: {  	_ = 	snop  }
0x5: {  	_ = 	snop  }
0x6: {  	_ = 	snop  }
0x7: {  	_ = 	snop  }
__scs_overlays_trampoline_lowered:
0x8: {  	[smem:$0x3FA7] =	sst s0  }
0x9: {  	[smem:$0x3FA8] =	sst s1  }
0xa: {  	[smem:$0x3FA9] =	sst s2  }
0xb: {  	[smem:$0x3FAA] =	sst s3  }
0xc: {  	[smem:$0x3FAB] =	sst s4  }
0xd: {  	[smem:$0x3FAC] =	sst s5  }
0xe: {  	[smem:$0x3FAD] =	sst s6  }
0xf: {  	[smem:$0x3FAE] =	sst s7  }
0x10: {  	[smem:$0x3FAF] =	sst s8  }
0x11: {  	[smem:$0x3FB0] =	sst s9;
	s0 =	simm.s32 @!p0 $0x0  }
0x12: {  	s1 =	sld [smem:$0x3F96];
	s0 =	simm.s32 @p0 $0x1  }
0x13: {  	[smem:$0x3FB1] =	sst s0;
	s0 =	simm.s32 @!p1 $0x0  }
0x14: {  	s2 =	sld [smem:$0x3F95];
	s0 =	simm.s32 @p1 $0x1  }
0x15: {  	[smem:$0x3FB2] =	sst s0;
	s0 =	simm.s32 @!p2 $0x0  }
0x16: {  	s3 =	sld [smem:$0x3FDB];
	s0 =	simm.s32 @p2 $0x1  }
0x17: {  	s4 =	simm.s32 $0x1BF5;
	[smem:$0x3FB4] =	sst s0  }
0x18: {  	s0 =	sld [smem:$0x3F97];
	_ =	swait.ge [sflag:s4], $0x0  }
0x19: {  	s7 =	sld [smem:$0x3F98]  }
0x1a: {  	s8 =	sadd.s32 $0xFFFFE003, lr  }
0x1b: {  	s9 =	sadd.s32 $0xFFFFFEF7, lr;
	s5 =	simm.s32 $0xFFFFFFFF;
	p2 =	slt.u32 s8, $0xFFFFF086  }
0x1c: {  	p1 =	slt.u32 s9, $0xF7A;
	s5 =	simm.s32 @!p2 $0x0  }
0x1d: {  	s5 =	simm.s32 @p1 $0x1;
	p0 =	seq.s32 s7, s2  }
0x1e: {  	s7 =	smul.u32 @!p0 $0xF7A, s2;
	p2 =	seq.s32 @!p0 s5, $0x0  }
0x1f: {  	s9 =	smul.u32 $0xF7A, s1;
	s8 =	simm.s32 @!p0 $0x1BF5;
	p2 =	por !p2, p0  }
0x20: {  	[sflag:s8] =	ssyncset.s32 @!p0 $0xFFFFF086;
	s6 =	sadd.s32 @!p0 s3, s7;
	s7 =	simm.s32 @!p0 $0x108  }
0x21: {  	s3 =	sadd.s32 s3, s9;
	s6 =	sadd.s32 @!p0 $0x88, s6;
	s7 =	simm.s32 @p2 $0x1082  }
0x22: {  	[simem:s7], [sflag:s8] =	dma.local @!p0 [hbm:s6], $0xF7A  }
0x23: {  	s9 =	sor.u32 $0xD0000000, s2;
	s6 =	simm.s32 $0x108;
	_ =	swait.ge @!p0 [sflag:s8], $0x0  }
0x24: {  	s3 =	sadd.s32 $0x88, s3;
	s6 =	simm.s32 @!p1 $0x1082;
	[sflag:s4] =	ssyncset.s32 $0xFFFFF086  }
0x25: {  	[simem:s6], [sflag:s4] =	dma.local [hbm:s3], $0xF7A  }
0x26: {  	[smem:$0x3F98] =	sst s1;
	(tag) =	ssettag s2;
	_ =	strace s9  }
0x27: {  	s1 =	sld [smem:$0x3FA8]  }
0x28: {  	s2 =	sld [smem:$0x3FA9]  }
0x29: {  	s4 =	sld [smem:$0x3FAB]  }
0x2a: {  	p0 =	seq.s32 s5, $0x0;
	s5 =	sld [smem:$0x3FAC]  }
0x2b: {  	s6 =	sld [smem:$0x3FAD]  }
0x2c: {  	s7 =	sld [smem:$0x3FAE]  }
0x2d: {  	s3 =	simm.s32 $0x108;
	s8 =	sld [smem:$0x3FAF]  }
0x2e: {  	s3 =	simm.s32 @!p0 $0x1082;
	s9 =	sld [smem:$0x3FB0]  }
0x2f: {  	lr =	sadd.s32 s0, s3;
	s0 =	sld [smem:$0x3FA7]  }
0x30: {  	s3 =	sld [smem:$0x3FAA]  }
0x31: {  	[smem:$0x3FB3] =	sst s10  }
0x32: {  	s10 =	sld [smem:$0x3FB1];
	_ =	sdelay $0x3  }
0x33: {  	p0 =	seq.s32 s10, $0x1;
	s10 =	sld [smem:$0x3FB3];
	_ =	sdelay $0x3  }
0x34: {  	[smem:$0x3FB3] =	sst s10  }
0x35: {  	s10 =	sld [smem:$0x3FB2];
	_ =	sdelay $0x3  }
0x36: {  	p1 =	seq.s32 s10, $0x1;
	s10 =	sld [smem:$0x3FB3];
	_ =	sdelay $0x3  }
0x37: {  	[smem:$0x3FB3] =	sst s10  }
0x38: {  	s10 =	sld [smem:$0x3FB4]  }
0x39: {  	_ = 	snop;
	(pc) =	sbr.ind lr, $3  }
0x3a: {  	_ = 	snop  }
0x3b: {  	_ = 	snop  }
0x3c: {  	p2 =	seq.s32 s10, $0x1;
	s10 =	sld [smem:$0x3FB3]  }
0x3d: {  	_ =	shalt  }
0x3e: {  	_ =	shalt  }
0x3f: {  	_ =	shalt  }
0x40: {  	_ =	shalt  }
0x41: {  	_ =	shalt  }
0x42: {  	_ =	shalt  }
0x43: {  	_ =	shalt  }
0x44: {  	_ =	shalt  }
0x45: {  	_ =	shalt  }
0x46: {  	_ =	shalt  }
0x47: {  	_ =	shalt  }
0x48: {  	_ =	shalt  }
0x49: {  	_ =	shalt  }
0x4a: {  	_ =	shalt  }
0x4b: {  	_ =	shalt  }
0x4c: {  	_ =	shalt  }
0x4d: {  	_ =	shalt  }
0x4e: {  	_ =	shalt  }
0x4f: {  	_ =	shalt  }
0x50: {  	_ =	shalt  }
0x51: {  	_ =	shalt  }
0x52: {  	_ =	shalt  }
0x53: {  	_ =	shalt  }
0x54: {  	_ =	shalt  }
0x55: {  	_ =	shalt  }
0x56: {  	_ =	shalt  }
0x57: {  	_ =	shalt  }
0x58: {  	_ =	shalt  }
0x59: {  	_ =	shalt  }
0x5a: {  	_ =	shalt  }
0x5b: {  	_ =	shalt  }
0x5c: {  	_ =	shalt  }
0x5d: {  	_ =	shalt  }
0x5e: {  	_ =	shalt  }
0x5f: {  	_ =	shalt  }
0x60: {  	_ =	shalt  }
0x61: {  	_ =	shalt  }
0x62: {  	_ =	shalt  }
0x63: {  	_ =	shalt  }
0x64: {  	_ =	shalt  }
0x65: {  	_ =	shalt  }
0x66: {  	_ =	shalt  }
0x67: {  	_ =	shalt  }
0x68: {  	_ =	shalt  }
0x69: {  	_ =	shalt  }
0x6a: {  	_ =	shalt  }
0x6b: {  	_ =	shalt  }
0x6c: {  	_ =	shalt  }
0x6d: {  	_ =	shalt  }
0x6e: {  	_ =	shalt  }
0x6f: {  	_ =	shalt  }
0x70: {  	_ =	shalt  }
0x71: {  	_ =	shalt  }
0x72: {  	_ =	shalt  }
0x73: {  	_ =	shalt  }
0x74: {  	_ =	shalt  }
0x75: {  	_ =	shalt  }
0x76: {  	_ =	shalt  }
0x77: {  	_ =	shalt  }
0x78: {  	_ =	shalt  }
0x79: {  	_ =	shalt  }
0x7a: {  	_ =	shalt  }
0x7b: {  	_ =	shalt  }
0x7c: {  	_ =	shalt  }
0x7d: {  	_ =	shalt  }
0x7e: {  	_ =	shalt  }
0x7f: {  	_ =	shalt  }
0x80: {  	_ =	shalt  }
0x81: {  	_ =	shalt  }
0x82: {  	_ =	shalt  }
0x83: {  	_ =	shalt  }
0x84: {  	_ =	shalt  }
0x85: {  	_ =	shalt  }
0x86: {  	_ =	shalt  }
0x87: {  	_ =	shalt  }
.Lfunc_end0:
.L_simem_size_0:
called_computation.2_lowered:
.L_overlay_start_0:
0x88: {  	s2 =	sld [smem:$0x3FD9]  }
0x89: {  	s3 =	sld [smem:$0x3FFE];
	_ =	sdelay $0x1  }
0x8a: {  	s1 =	srdreg.scid  }
0x8b: {  	s0 =	sand.u32 $0x1, s1  }
0x8c: {  	s16 =	sshll.u32 s0, $0xA;
	s2 =	sadd.s32 s3, s2  }
0x8d: {  	s2 =	sadd.s32 s2, s16  }
0x8e: {  	[smem:$0x3FBF] =	sst s2  }
0x8f: {  	_ = 	snop  }
0x90: {  	(tm) =	ssettm $0x1  }
0x91: {  	s17 =	sld [smem:$0x3FFB];
	_ =	sdelay $0x3  }
0x92: {  	_ =	strace s17  }
0x93: {  	s2 =	sld [smem:$0x3FFC];
	_ =	sdelay $0x3  }
0x94: {  	_ =	strace s2  }
0x95: {  	s2 =	sld [smem:$0x3FFD];
	_ =	sdelay $0x3  }
0x96: {  	_ =	strace s2  }
0x97: {  	_ =	strace $0x8FFFFFFF  }
0x98: {  	s18 =	sld [smem:$0x3FDB];
	_ =	sdelay $0x1  }
0x99: {  	s19 =	simm.s32 $_scs_section_size  }
0x9a: {  	s4 =	simm.s32 $_size__tile_overlayer_lowered;
	s5 =	simm.s32 $_tile_overlayer_lowered  }
0x9b: {  	s22 =	simm.s32 $0x1BFF;
	s21 =	sshll.u32 s5, $0x1;
	s2 =	sadd.s32 s19, s18  }
0x9c: {  	s6 =	simm.s32 $0x0;
	s20 =	sshll.u32 s4, $0x1;
	s4 =	sadd.s32 s21, s2  }
0x9d: {  	[timem:s6], [sflag:s22] =	dma.local [hbm:s4], s20  }
0x9e: {  	_ =	swait.ge [sflag:s22], s20  }
0x9f: {  	s3 =	ssub.s32 $0x0, s20;
	[sflag:s22] =	ssyncset.done $0x0  }
0xa0: {  	[sflag:s22] =	ssyncadd.s32 s3;
	_ =	sdelay $0x1  }
0xa1: {  	s23 =	simm.s32 $0x1B8B  }
0xa2: {  	_ =	swait.ge [sflag:s23], $0x1  }
0xa3: {  	[sflag:s23] =	ssyncset.done $0x0  }
0xa4: {  	s25 =	simm.s32 $0x1B8E;
	s24 =	sld [smem:$0x3FFE];
	[sflag:s23] =	ssyncadd.s32 $0xFFFFFFFF  }
0xa5: {  	s26 =	simm.s32 $execute0_lowered;
	[smem:$0x3FD2] =	sst s25  }
0xa6: {  	s4 =	sshll.u32 s26, $0x1;
	_ =	strace $0x80000049;
	[dreg:$0x1] =	wrdreg $0xFFFFFFFF  }
0xa7: {  	s28 =	simm.s32 $_size_execute0_lowered;
	s2 =	sadd.s32 s2, s4;
	[dreg:$0x0] =	wrdreg $0x0  }
0xa8: {  	s4 =	sshll.u32 s28, $0x1;
	[dreg:$0x2] =	wrdreg s2  }
0xa9: {  	[dreg:$0x3] =	wrdreg s4  }
0xaa: {  	[dreg:$0x4] =	wrdreg $0xC0  }
0xab: {  	_ =	task [dreg:s6], $0x5FFFF  }
0xac: {  	[dreg:$0x1] =	wrdreg $0xFFFFFFFF  }
0xad: {  	[dreg:$0x0] =	wrdreg $0x60  }
0xae: {  	[dreg:$0x2] =	wrdreg s24  }
0xaf: {  	[dreg:$0x3] =	wrdreg $0x9  }
0xb0: {  	_ =	task.clear_ibuf [dreg:s6], $0x4FFFF;
	_ =	strace $0x90000049  }
0xb1: {  	s29 =	simm.s32 $0x9;
	_ =	strace $0x8000004B  }
0xb2: {  	_ =	swait.ge [sflag:s29], $0x1  }
0xb3: {  	[sflag:s29] =	ssyncadd.s32 $0xFFFFFFFF  }
0xb4: {  	_ =	strace $0x9000004B  }
0xb5: {  	_ =	sfence  }
0xb6: {  	s30 =	sld [smem:$0x0];
	_ =	sdelay $0x2  }
0xb7: {  	s31 =	sshll.u32 s1, $0xD;
	s1 =	sshrl.u32 s1, $0x2  }
0xb8: {  	s3 =	sand.u32 $0x4000, s31;
	s1 =	sadd.s32 s1, s30  }
0xb9: {  	s0 =	sor.u32 s3, s0;
	s1 =	sshll.u32 s1, $0x11  }
0xba: {  	s0 =	sor.u32 s1, s0  }
0xbb: {  	s0 =	sadd.s32 $0x8F2B, s0  }
0xbc: {  	[sflag:s0] =	ssyncadd.remote.s32 $0x1  }
0xbd: {  	_ =	sfence.sel $0xFFFF  }
0xbe: {  	[dreg:$0x0] =	wrdreg $0xFFFFFFFF;
	(pc) =	sbr.abs _section_cstart, $3  }
0xbf: {  	[dreg:$0x1] =	wrdreg $0xFFFFFFFF  }
0xc0: {  	_ =	task.clear_ibuf [dreg:s6], $0x2FFFF;
	_ =	strace $0x9FFFFFFF  }
0xc1: {  	(tm) =	ssettm $0x7FFFFFFF  }
tec
execute0_lowered:
.L_overlay_start_1:
0x0: {  	(tag) =	ssettag $0x1  }
0x1: {  	s1 =	srdreg.scid  }
0x2: {  	s0 =	stileid.u32;
	s20 =	sand.u32 $0x1, s1  }
0x3: {  	s17 =	rddreg [dreg:$0x0];
	s3 =	sshll.u32 s0, $0x7;
	s4 =	sshll.u32 s20, $0x6  }
0x4: {  	s2 =	simm.s32 $0x0;
	s1 =	rddreg [dreg:$0x1];
	s3 =	sor.u32 s4, s3  }
0x5: {  	[smem:$0x7FF] =	sst s2;
	s5 =	sadd.s32 s3, s17  }
0x6: {  	_ =	strace $0x8000004A;
	s4 =	simm.s32 $0x2;
	s3 =	sadd.s32 $0x802000, s5  }
0x7: {  	[tilespmem:s2], [sflag:$0x2] =	stream.linear.gather [hbm4b:s3+s2], $0x200, $0x38;
	[tilespmem:$0x10400] =	vst v63  }
0x8: {  	_ =	swait.ge [sflag:s4], $0x200  }
0x9: {  	[sflag:s4] =	ssyncset.done $0x0  }
0xa: {  	s6 =	simm.s32 $0x200;
	s5 =	sadd.s32 $0x801800, s5;
	[sflag:s4] =	ssyncadd.s32 $0xFFFFFE00  }
0xb: {  	[tilespmem:s6], [sflag:$0x2] =	stream.linear.gather [hbm4b:s5+s2], $0x200, $0x38;
	[tilespmem:$0x10400] =	vst v63  }
0xc: {  	_ =	swait.ge [sflag:s4], $0x200  }
0xd: {  	s8 =	simm.s32 $0x80;
	[sflag:s4] =	ssyncset.done $0x0  }
0xe: {  	s9 =	simm.s32 $0x400;
	s7 =	sadd.s32 $0x802800, s17;
	[sflag:s4] =	ssyncadd.s32 $0xFFFFFE00  }
0xf: {  	[tilespmem:s9], [sflag:$0x1] =	stream.indirect.gather [hbm4b:s7+s8], $0x80, s6, s8, $0xb8;
	[tilespmem:$0x10400] =	vst v63  }
0x10: {  	s10 =	simm.s32 $0x280;
	s11 =	simm.s32 $0x4400  }
0x11: {  	[tilespmem:s11], [sflag:$0x1] =	stream.indirect.gather [hbm4b:s7+s8], $0x80, s10, s8, $0xb8;
	[tilespmem:$0x10400] =	vst v63  }
0x12: {  	s12 =	simm.s32 $0x300;
	s13 =	simm.s32 $0x8400  }
0x13: {  	[tilespmem:s13], [sflag:$0x1] =	stream.indirect.gather [hbm4b:s7+s8], $0x80, s12, s8, $0xb8;
	[tilespmem:$0x10400] =	vst v63  }
0x14: {  	s14 =	simm.s32 $0x380;
	s16 =	simm.s32 $0xC400;
	s15 =	simm.s32 $0x1  }
0x15: {  	[tilespmem:s16], [sflag:$0x1] =	stream.indirect.gather [hbm4b:s7+s8], $0x80, s14, s8, $0xb8;
	[tilespmem:$0x10400] =	vst v63  }
0x16: {  	_ =	swait.ge [sflag:s15], $0x4000  }
0x17: {  	[sflag:s15] =	ssyncset.done $0x0  }
0x18: {  	[sflag:s15] =	ssyncadd.s32 $0xFFFFC000  }
0x19: {  	_ =	swait.ge [sflag:s15], $0x4000  }
0x1a: {  	[sflag:s15] =	ssyncset.done $0x0  }
0x1b: {  	[sflag:s15] =	ssyncadd.s32 $0xFFFFC000  }
0x1c: {  	_ =	swait.ge [sflag:s15], $0x4000  }
0x1d: {  	[sflag:s15] =	ssyncset.done $0x0  }
0x1e: {  	[sflag:s15] =	ssyncadd.s32 $0xFFFFC000  }
0x1f: {  	_ =	swait.ge [sflag:s15], $0x4000  }
0x20: {  	[sflag:s15] =	ssyncset.done $0x0  }
0x21: {  	s17 =	sadd.s32 $0x1800, s17;
	[sflag:s15] =	ssyncadd.s32 $0xFFFFC000  }
0x22: {  	[hbm4b:s17+s8] =	stream.indirect.scatter [tilespmem:s9], [sflag:$0x1], $0x80, s2, s8, $0xb8;
	[tilespmem:$0x10400] =	vst v63  }
0x23: {  	_ = 	snop  }
0x24: {  	[hbm4b:s17+s8] =	stream.indirect.scatter [tilespmem:s11], [sflag:$0x1], $0x80, s8, s8, $0xb8;
	[tilespmem:$0x10400] =	vst v63  }
0x25: {  	s18 =	simm.s32 $0x100  }
0x26: {  	[hbm4b:s17+s8] =	stream.indirect.scatter [tilespmem:s13], [sflag:$0x1], $0x80, s18, s8, $0xb8;
	[tilespmem:$0x10400] =	vst v63  }
0x27: {  	s19 =	simm.s32 $0x180  }
0x28: {  	[hbm4b:s17+s8] =	stream.indirect.scatter [tilespmem:s16], [sflag:$0x1], $0x80, s19, s8, $0xb8;
	[tilespmem:$0x10400] =	vst v63  }
0x29: {  	_ =	swait.ge [sflag:s15], $0x4000  }
0x2a: {  	s20 =	ssub.s32 $0x2, s20;
	[sflag:s15] =	ssyncset.done $0x0  }
0x2b: {  	s21 =	sshrl.u32 s20, $0x1;
	[sflag:s15] =	ssyncadd.s32 $0xFFFFC000  }
0x2c: {  	s20 =	ssub.s32 s20, s21;
	_ =	swait.ge [sflag:s15], $0x4000  }
0x2d: {  	s20 =	smax.u32 s20, $0x1;
	[sflag:s15] =	ssyncset.done $0x0  }
0x2e: {  	p0 =	sne.s32 s20, $0x1;
	[sflag:s15] =	ssyncadd.s32 $0xFFFFC000  }
.Ltmp0:
0x2f: {  	_ =	swait.ge [sflag:s15], $0x4000;
	(pc) =	sbr.rel @!p0 .LBB2_2-.Ltmp0, $4  }
0x30: {  	[sflag:s15] =	ssyncset.done $0x0  }
0x31: {  	[sflag:s15] =	ssyncadd.s32 $0xFFFFC000  }
0x32: {  	_ =	swait.ge [sflag:s15], $0x4000  }
0x33: {  	s20 =	sadd.s32 $0xFFFFFFFF, s20;
	[sflag:s15] =	ssyncset.done $0x0  }
.LBB2_1:
0x34: {  	p0 =	sne.s32 s20, $0x1;
	s20 =	sadd.s32 $0xFFFFFFFF, s20;
	[sflag:s15] =	ssyncadd.s32 $0xFFFFC000  }
0x35: {  	[tilespmem:s2], [sflag:$0x2] =	stream.linear.gather [hbm4b:s3+s2], $0x200, $0x38;
	[tilespmem:$0x10400] =	vst v63  }
0x36: {  	_ =	swait.ge [sflag:s4], $0x200  }
0x37: {  	[sflag:s4] =	ssyncset.done $0x0  }
0x38: {  	[sflag:s4] =	ssyncadd.s32 $0xFFFFFE00  }
0x39: {  	[tilespmem:s6], [sflag:$0x2] =	stream.linear.gather [hbm4b:s5+s2], $0x200, $0x38;
	[tilespmem:$0x10400] =	vst v63  }
0x3a: {  	_ =	swait.ge [sflag:s4], $0x200  }
0x3b: {  	[sflag:s4] =	ssyncset.done $0x0  }
0x3c: {  	[sflag:s4] =	ssyncadd.s32 $0xFFFFFE00  }
0x3d: {  	[tilespmem:s9], [sflag:$0x1] =	stream.indirect.gather [hbm4b:s7+s8], $0x80, s6, s8, $0xb8;
	[tilespmem:$0x10400] =	vst v63  }
0x3e: {  	_ = 	snop  }
0x3f: {  	[tilespmem:s11], [sflag:$0x1] =	stream.indirect.gather [hbm4b:s7+s8], $0x80, s10, s8, $0xb8;
	[tilespmem:$0x10400] =	vst v63  }
0x40: {  	_ = 	snop  }
0x41: {  	[tilespmem:s13], [sflag:$0x1] =	stream.indirect.gather [hbm4b:s7+s8], $0x80, s12, s8, $0xb8;
	[tilespmem:$0x10400] =	vst v63  }
0x42: {  	_ = 	snop  }
0x43: {  	[tilespmem:s16], [sflag:$0x1] =	stream.indirect.gather [hbm4b:s7+s8], $0x80, s14, s8, $0xb8;
	[tilespmem:$0x10400] =	vst v63  }
0x44: {  	_ =	swait.ge [sflag:s15], $0x4000  }
0x45: {  	[sflag:s15] =	ssyncset.done $0x0  }
0x46: {  	[sflag:s15] =	ssyncadd.s32 $0xFFFFC000  }
0x47: {  	_ =	swait.ge [sflag:s15], $0x4000  }
0x48: {  	[sflag:s15] =	ssyncset.done $0x0  }
0x49: {  	[sflag:s15] =	ssyncadd.s32 $0xFFFFC000  }
0x4a: {  	_ =	swait.ge [sflag:s15], $0x4000  }
0x4b: {  	[sflag:s15] =	ssyncset.done $0x0  }
0x4c: {  	[sflag:s15] =	ssyncadd.s32 $0xFFFFC000  }
0x4d: {  	_ =	swait.ge [sflag:s15], $0x4000  }
0x4e: {  	[sflag:s15] =	ssyncset.done $0x0  }
0x4f: {  	[sflag:s15] =	ssyncadd.s32 $0xFFFFC000  }
0x50: {  	[hbm4b:s17+s8] =	stream.indirect.scatter [tilespmem:s9], [sflag:$0x1], $0x80, s2, s8, $0xb8;
	[tilespmem:$0x10400] =	vst v63  }
0x51: {  	_ = 	snop  }
0x52: {  	[hbm4b:s17+s8] =	stream.indirect.scatter [tilespmem:s11], [sflag:$0x1], $0x80, s8, s8, $0xb8;
	[tilespmem:$0x10400] =	vst v63  }
0x53: {  	_ = 	snop  }
0x54: {  	[hbm4b:s17+s8] =	stream.indirect.scatter [tilespmem:s13], [sflag:$0x1], $0x80, s18, s8, $0xb8;
	[tilespmem:$0x10400] =	vst v63  }
0x55: {  	_ = 	snop  }
0x56: {  	[hbm4b:s17+s8] =	stream.indirect.scatter [tilespmem:s16], [sflag:$0x1], $0x80, s19, s8, $0xb8;
	[tilespmem:$0x10400] =	vst v63  }
0x57: {  	_ =	swait.ge [sflag:s15], $0x4000  }
0x58: {  	[sflag:s15] =	ssyncset.done $0x0  }
0x59: {  	[sflag:s15] =	ssyncadd.s32 $0xFFFFC000  }
0x5a: {  	_ =	swait.ge [sflag:s15], $0x4000  }
0x5b: {  	[sflag:s15] =	ssyncset.done $0x0  }
0x5c: {  	[sflag:s15] =	ssyncadd.s32 $0xFFFFC000  }
.Ltmp1:
0x5d: {  	_ =	swait.ge [sflag:s15], $0x4000;
	(pc) =	sbr.rel @p0 .LBB2_1-.Ltmp1, $4  }
0x5e: {  	[sflag:s15] =	ssyncset.done $0x0  }
0x5f: {  	[sflag:s15] =	ssyncadd.s32 $0xFFFFC000  }
0x60: {  	_ =	swait.ge [sflag:s15], $0x4000  }
0x61: {  	[sflag:s15] =	ssyncset.done $0x0  }
.LBB2_2:
0x62: {  	[sflag:s15] =	ssyncadd.s32 $0xFFFFC000  }
0x63: {  	_ =	sfence.sel $0x180000  }
0x64: {  	[bflag:$0x0] =	sbarrier.arrive $0xFFFF  }
0x65: {  	p0 =	sne.s32 s0, $0x0;
	_ =	strace $0x9000004A  }
0x66: {  	s0 =	sadd.s32 @!p0 $0x100000, s1;
	[bflag:$0x2] =	sbarrier.arrive $0xFFFF  }
0x67: {  	[sflag:s0] =	ssyncadd.tile.s32 @!p0 $0x1;
	_ =	shalt  }
.Lfunc_end2:
_tile_overlayer_lowered:
.L_overlay_start_2:
0x68: {  	(tag) =	ssettag $0x2  }
0x69: {  	s0 =	rddreg [dreg:$0x0];
	s2 =	stileid.u32  }
0x6a: {  	s1 =	rddreg [dreg:$0x1];
	p0 =	sne.s32 s2, $0x0  }
0x6b: {  	s3 =	rddreg [dreg:$0x2];
	[bflag:$0x3] =	sbarrier.arrive $0xFFFF;
	s2 =	simm.s32 @!p0 $0x1C02  }
0x6c: {  	[timem:s3], [sflag:s2] =	dma.local @!p0 [hbm:s0], s1  }
0x6d: {  	s0 =	simm.s32 @!p0 $0x2  }
0x6e: {  	_ =	swait.ge @!p0 [sflag:s0], s1  }
0x6f: {  	s1 =	ssub.s32 @!p0 $0x0, s1;
	[sflag:s0] =	ssyncset.done @!p0 $0x0  }
0x70: {  	[sflag:s0] =	ssyncadd.s32 @!p0 s1  }
0x71: {  	[bflag:$0x3] =	sbarrier.arrive $0xFFFF  }
0x72: {  	_ =	shalt  }

// kernel: kernel.13.cloned.1.call-start
scs
__scs_entry_jumppad:
0x0: {  	(pc) =	sbr.rel $0x88, $3  }
0x1: {  	(tag) =	ssettag $0x0;
	lr =	simm.s32 $0x1  }
0x2: {  	[smem:$0x3F98] =	sst lr;
	_ =	strace $0xD0000000  }
0x3: {  	_ = 	snop  }
0x4: {  	_ = 	snop  }
0x5: {  	_ = 	snop  }
0x6: {  	_ = 	snop  }
0x7: {  	_ = 	snop  }
__scs_overlays_trampoline_lowered:
0x8: {  	[smem:$0x3FA7] =	sst s0  }
0x9: {  	[smem:$0x3FA8] =	sst s1  }
0xa: {  	[smem:$0x3FA9] =	sst s2  }
0xb: {  	[smem:$0x3FAA] =	sst s3  }
0xc: {  	[smem:$0x3FAB] =	sst s4  }
0xd: {  	[smem:$0x3FAC] =	sst s5  }
0xe: {  	[smem:$0x3FAD] =	sst s6  }
0xf: {  	[smem:$0x3FAE] =	sst s7  }
0x10: {  	[smem:$0x3FAF] =	sst s8  }
0x11: {  	[smem:$0x3FB0] =	sst s9;
	s0 =	simm.s32 @!p0 $0x0  }
0x12: {  	s1 =	sld [smem:$0x3F96];
	s0 =	simm.s32 @p0 $0x1  }
0x13: {  	[smem:$0x3FB1] =	sst s0;
	s0 =	simm.s32 @!p1 $0x0  }
0x14: {  	s2 =	sld [smem:$0x3F95];
	s0 =	simm.s32 @p1 $0x1  }
0x15: {  	[smem:$0x3FB2] =	sst s0;
	s0 =	simm.s32 @!p2 $0x0  }
0x16: {  	s3 =	sld [smem:$0x3FDB];
	s0 =	simm.s32 @p2 $0x1  }
0x17: {  	s4 =	simm.s32 $0x1BF5;
	[smem:$0x3FB4] =	sst s0  }
0x18: {  	s0 =	sld [smem:$0x3F97];
	_ =	swait.ge [sflag:s4], $0x0  }
0x19: {  	s7 =	sld [smem:$0x3F98]  }
0x1a: {  	s8 =	sadd.s32 $0xFFFFE003, lr  }
0x1b: {  	s9 =	sadd.s32 $0xFFFFFEF7, lr;
	s5 =	simm.s32 $0xFFFFFFFF;
	p2 =	slt.u32 s8, $0xFFFFF086  }
0x1c: {  	p1 =	slt.u32 s9, $0xF7A;
	s5 =	simm.s32 @!p2 $0x0  }
0x1d: {  	s5 =	simm.s32 @p1 $0x1;
	p0 =	seq.s32 s7, s2  }
0x1e: {  	s7 =	smul.u32 @!p0 $0xF7A, s2;
	p2 =	seq.s32 @!p0 s5, $0x0  }
0x1f: {  	s9 =	smul.u32 $0xF7A, s1;
	s8 =	simm.s32 @!p0 $0x1BF5;
	p2 =	por !p2, p0  }
0x20: {  	[sflag:s8] =	ssyncset.s32 @!p0 $0xFFFFF086;
	s6 =	sadd.s32 @!p0 s3, s7;
	s7 =	simm.s32 @!p0 $0x108  }
0x21: {  	s3 =	sadd.s32 s3, s9;
	s6 =	sadd.s32 @!p0 $0x88, s6;
	s7 =	simm.s32 @p2 $0x1082  }
0x22: {  	[simem:s7], [sflag:s8] =	dma.local @!p0 [hbm:s6], $0xF7A  }
0x23: {  	s9 =	sor.u32 $0xD0000000, s2;
	s6 =	simm.s32 $0x108;
	_ =	swait.ge @!p0 [sflag:s8], $0x0  }
0x24: {  	s3 =	sadd.s32 $0x88, s3;
	s6 =	simm.s32 @!p1 $0x1082;
	[sflag:s4] =	ssyncset.s32 $0xFFFFF086  }
0x25: {  	[simem:s6], [sflag:s4] =	dma.local [hbm:s3], $0xF7A  }
0x26: {  	[smem:$0x3F98] =	sst s1;
	(tag) =	ssettag s2;
	_ =	strace s9  }
0x27: {  	s1 =	sld [smem:$0x3FA8]  }
0x28: {  	s2 =	sld [smem:$0x3FA9]  }
0x29: {  	s4 =	sld [smem:$0x3FAB]  }
0x2a: {  	p0 =	seq.s32 s5, $0x0;
	s5 =	sld [smem:$0x3FAC]  }
0x2b: {  	s6 =	sld [smem:$0x3FAD]  }
0x2c: {  	s7 =	sld [smem:$0x3FAE]  }
0x2d: {  	s3 =	simm.s32 $0x108;
	s8 =	sld [smem:$0x3FAF]  }
0x2e: {  	s3 =	simm.s32 @!p0 $0x1082;
	s9 =	sld [smem:$0x3FB0]  }
0x2f: {  	lr =	sadd.s32 s0, s3;
	s0 =	sld [smem:$0x3FA7]  }
0x30: {  	s3 =	sld [smem:$0x3FAA]  }
0x31: {  	[smem:$0x3FB3] =	sst s10  }
0x32: {  	s10 =	sld [smem:$0x3FB1];
	_ =	sdelay $0x3  }
0x33: {  	p0 =	seq.s32 s10, $0x1;
	s10 =	sld [smem:$0x3FB3];
	_ =	sdelay $0x3  }
0x34: {  	[smem:$0x3FB3] =	sst s10  }
0x35: {  	s10 =	sld [smem:$0x3FB2];
	_ =	sdelay $0x3  }
0x36: {  	p1 =	seq.s32 s10, $0x1;
	s10 =	sld [smem:$0x3FB3];
	_ =	sdelay $0x3  }
0x37: {  	[smem:$0x3FB3] =	sst s10  }
0x38: {  	s10 =	sld [smem:$0x3FB4]  }
0x39: {  	_ = 	snop;
	(pc) =	sbr.ind lr, $3  }
0x3a: {  	_ = 	snop  }
0x3b: {  	_ = 	snop  }
0x3c: {  	p2 =	seq.s32 s10, $0x1;
	s10 =	sld [smem:$0x3FB3]  }
0x3d: {  	_ =	shalt  }
0x3e: {  	_ =	shalt  }
0x3f: {  	_ =	shalt  }
0x40: {  	_ =	shalt  }
0x41: {  	_ =	shalt  }
0x42: {  	_ =	shalt  }
0x43: {  	_ =	shalt  }
0x44: {  	_ =	shalt  }
0x45: {  	_ =	shalt  }
0x46: {  	_ =	shalt  }
0x47: {  	_ =	shalt  }
0x48: {  	_ =	shalt  }
0x49: {  	_ =	shalt  }
0x4a: {  	_ =	shalt  }
0x4b: {  	_ =	shalt  }
0x4c: {  	_ =	shalt  }
0x4d: {  	_ =	shalt  }
0x4e: {  	_ =	shalt  }
0x4f: {  	_ =	shalt  }
0x50: {  	_ =	shalt  }
0x51: {  	_ =	shalt  }
0x52: {  	_ =	shalt  }
0x53: {  	_ =	shalt  }
0x54: {  	_ =	shalt  }
0x55: {  	_ =	shalt  }
0x56: {  	_ =	shalt  }
0x57: {  	_ =	shalt  }
0x58: {  	_ =	shalt  }
0x59: {  	_ =	shalt  }
0x5a: {  	_ =	shalt  }
0x5b: {  	_ =	shalt  }
0x5c: {  	_ =	shalt  }
0x5d: {  	_ =	shalt  }
0x5e: {  	_ =	shalt  }
0x5f: {  	_ =	shalt  }
0x60: {  	_ =	shalt  }
0x61: {  	_ =	shalt  }
0x62: {  	_ =	shalt  }
0x63: {  	_ =	shalt  }
0x64: {  	_ =	shalt  }
0x65: {  	_ =	shalt  }
0x66: {  	_ =	shalt  }
0x67: {  	_ =	shalt  }
0x68: {  	_ =	shalt  }
0x69: {  	_ =	shalt  }
0x6a: {  	_ =	shalt  }
0x6b: {  	_ =	shalt  }
0x6c: {  	_ =	shalt  }
0x6d: {  	_ =	shalt  }
0x6e: {  	_ =	shalt  }
0x6f: {  	_ =	shalt  }
0x70: {  	_ =	shalt  }
0x71: {  	_ =	shalt  }
0x72: {  	_ =	shalt  }
0x73: {  	_ =	shalt  }
0x74: {  	_ =	shalt  }
0x75: {  	_ =	shalt  }
0x76: {  	_ =	shalt  }
0x77: {  	_ =	shalt  }
0x78: {  	_ =	shalt  }
0x79: {  	_ =	shalt  }
0x7a: {  	_ =	shalt  }
0x7b: {  	_ =	shalt  }
0x7c: {  	_ =	shalt  }
0x7d: {  	_ =	shalt  }
0x7e: {  	_ =	shalt  }
0x7f: {  	_ =	shalt  }
0x80: {  	_ =	shalt  }
0x81: {  	_ =	shalt  }
0x82: {  	_ =	shalt  }
0x83: {  	_ =	shalt  }
0x84: {  	_ =	shalt  }
0x85: {  	_ =	shalt  }
0x86: {  	_ =	shalt  }
0x87: {  	_ =	shalt  }
.Lfunc_end0:
.L_simem_size_0:
called_computation.3_lowered:
.L_overlay_start_0:
0x88: {  	s2 =	sld [smem:$0x3FD9]  }
0x89: {  	s3 =	sld [smem:$0x3FFE];
	_ =	sdelay $0x1  }
0x8a: {  	s1 =	srdreg.scid  }
0x8b: {  	s0 =	sand.u32 $0x1, s1  }
0x8c: {  	s14 =	sshll.u32 s0, $0xA;
	s2 =	sadd.s32 s3, s2  }
0x8d: {  	s2 =	sadd.s32 s2, s14  }
0x8e: {  	[smem:$0x3FBF] =	sst s2  }
0x8f: {  	_ = 	snop  }
0x90: {  	s2 =	sld [smem:$0x3FD0];
	_ =	sdelay $0x2  }
0x91: {  	s4 =	simm.s32 $0xA;
	s5 =	simm.s32 $0x10;
	s15 =	sld [smem:$0x3FC5]  }
0x92: {  	[smem:s5], [sflag:s4] =	dma.local [hbm:s2], $0x1  }
0x93: {  	_ =	swait.eq [sflag:s4], $0x1  }
0x94: {  	[sflag:s4] =	ssyncset.done $0x0  }
0x95: {  	[sflag:s4] =	ssyncadd.s32 $0xFFFFFFFF  }
0x96: {  	s16 =	sld [smem:$0x10];
	(tm) =	ssettm $0x1  }
0x97: {  	s17 =	sld [smem:$0x3FFB];
	_ =	sdelay $0x3  }
0x98: {  	_ =	strace s17  }
0x99: {  	s4 =	sld [smem:$0x3FFC];
	_ =	sdelay $0x3  }
0x9a: {  	_ =	strace s4  }
0x9b: {  	s4 =	sld [smem:$0x3FFD];
	_ =	sdelay $0x3  }
0x9c: {  	_ =	strace s4  }
0x9d: {  	_ =	strace $0x8FFFFFFF  }
0x9e: {  	s18 =	sld [smem:$0x3FDB];
	_ =	sdelay $0x1  }
0x9f: {  	s19 =	simm.s32 $_scs_section_size  }
0xa0: {  	s6 =	simm.s32 $_size__tile_overlayer_lowered;
	s7 =	simm.s32 $_tile_overlayer_lowered  }
0xa1: {  	s22 =	simm.s32 $0x1BFF;
	s21 =	sshll.u32 s7, $0x1;
	s4 =	sadd.s32 s19, s18  }
0xa2: {  	s8 =	simm.s32 $0x0;
	s20 =	sshll.u32 s6, $0x1;
	s6 =	sadd.s32 s21, s4  }
0xa3: {  	[timem:s8], [sflag:s22] =	dma.local [hbm:s6], s20  }
0xa4: {  	_ =	swait.ge [sflag:s22], s20  }
0xa5: {  	s5 =	ssub.s32 $0x0, s20;
	[sflag:s22] =	ssyncset.done $0x0  }
0xa6: {  	[sflag:s22] =	ssyncadd.s32 s5;
	_ =	sdelay $0x1  }
0xa7: {  	s23 =	simm.s32 $0x1B8B  }
0xa8: {  	_ =	swait.ge [sflag:s23], $0x1  }
0xa9: {  	[sflag:s23] =	ssyncset.done $0x0  }
0xaa: {  	s25 =	simm.s32 $0x1B8E;
	s24 =	sld [smem:$0x3FFE];
	[sflag:s23] =	ssyncadd.s32 $0xFFFFFFFF  }
0xab: {  	s26 =	simm.s32 $execute0_lowered;
	[smem:$0x3FD2] =	sst s25  }
0xac: {  	s6 =	sshll.u32 s26, $0x1;
	_ =	strace $0x8000004C;
	[dreg:$0x1] =	wrdreg $0xFFFFFFFF  }
0xad: {  	s28 =	simm.s32 $_size_execute0_lowered;
	s4 =	sadd.s32 s4, s6;
	[dreg:$0x0] =	wrdreg $0x0  }
0xae: {  	s6 =	sshll.u32 s28, $0x1;
	[dreg:$0x2] =	wrdreg s4  }
0xaf: {  	[dreg:$0x3] =	wrdreg s6  }
0xb0: {  	[dreg:$0x4] =	wrdreg $0xC0  }
0xb1: {  	_ =	task [dreg:s8], $0x5FFFF  }
0xb2: {  	[dreg:$0x1] =	wrdreg $0xFFFFFFFF  }
0xb3: {  	[dreg:$0x0] =	wrdreg $0x60  }
0xb4: {  	[dreg:$0x2] =	wrdreg s15  }
0xb5: {  	[dreg:$0x3] =	wrdreg s16  }
0xb6: {  	[dreg:$0x4] =	wrdreg s24  }
0xb7: {  	[dreg:$0x5] =	wrdreg $0x9  }
0xb8: {  	_ =	task.clear_ibuf [dreg:s8], $0x6FFFF;
	_ =	strace $0x9000004C  }
0xb9: {  	s29 =	simm.s32 $0x9;
	_ =	strace $0x8000004E  }
0xba: {  	_ =	swait.ge [sflag:s29], $0x1  }
0xbb: {  	[sflag:s29] =	ssyncadd.s32 $0xFFFFFFFF  }
0xbc: {  	_ =	strace $0x9000004E  }
0xbd: {  	_ =	sfence  }
0xbe: {  	s30 =	sld [smem:$0x0];
	_ =	sdelay $0x2  }
0xbf: {  	s31 =	sshll.u32 s1, $0xD;
	s1 =	sshrl.u32 s1, $0x2  }
0xc0: {  	s3 =	sand.u32 $0x4000, s31;
	s1 =	sadd.s32 s1, s30  }
0xc1: {  	s0 =	sor.u32 s3, s0;
	s1 =	sshll.u32 s1, $0x11  }
0xc2: {  	s0 =	sor.u32 s1, s0  }
0xc3: {  	s0 =	sadd.s32 $0x8F2B, s0  }
0xc4: {  	[sflag:s0] =	ssyncadd.remote.s32 $0x1  }
0xc5: {  	_ =	sfence.sel $0xFFFF  }
0xc6: {  	[dreg:$0x0] =	wrdreg $0xFFFFFFFF;
	(pc) =	sbr.abs _section_cstart, $3  }
0xc7: {  	[dreg:$0x1] =	wrdreg $0xFFFFFFFF  }
0xc8: {  	_ =	task.clear_ibuf [dreg:s8], $0x2FFFF;
	_ =	strace $0x9FFFFFFF  }
0xc9: {  	(tm) =	ssettm $0x7FFFFFFF  }
tec
execute0_lowered:
.L_overlay_start_1:
0x0: {  	(tag) =	ssettag $0x1  }
0x1: {  	s0 =	srdreg.scid  }
0x2: {  	s6 =	sand.u32 $0x1, s0;
	s0 =	stileid.u32  }
0x3: {  	s4 =	sshll.u32 s0, $0x1;
	s5 =	ssub.s32 $0x0, s6  }
0x4: {  	p0 =	sne.s32 s4, s5  }
.Ltmp0:
0x5: {  	_ = 	snop;
	(pc) =	sbr.rel @p0 .LBB2_4-.Ltmp0, $4  }
0x6: {  	s2 =	rddreg [dreg:$0x0]  }
0x7: {  	s3 =	rddreg [dreg:$0x1]  }
0x8: {  	s7 =	rddreg [dreg:$0x2]  }
0x9: {  	s1 =	rddreg [dreg:$0x3];
	_ =	strace $0x8000004D  }
0xa: {  	s5 =	simm.s32 $0x0;
	s4 =	simm.s32 $0x1;
	s8 =	ssub.s32 $0x2, s6  }
0xb: {  	[tilespmem:s5], [sflag:$0x1] =	stream.linear.gather [hbm4b:s2+s5], $0x40, $0x38;
	[tilespmem:$0x2040] =	vst v63  }
0xc: {  	s9 =	sshrl.u32 s8, $0x1;
	_ =	swait.ge [sflag:s4], $0x40  }
0xd: {  	s8 =	ssub.s32 s8, s9;
	[sflag:s4] =	ssyncset.done $0x0  }
0xe: {  	s6 =	simm.s32 $0x40;
	s8 =	smax.u32 s8, $0x1;
	[sflag:s4] =	ssyncadd.s32 $0xFFFFFFC0  }
0xf: {  	[tilespmem:s6], [sflag:$0x1] =	stream.linear.gather [hbm4b:s3+s5], $0x2000, $0x38;
	[tilespmem:$0x2040] =	vst v63  }
0x10: {  	p0 =	sne.s32 s8, $0x1;
	_ =	swait.ge [sflag:s4], $0x2000  }
.Ltmp1:
0x11: {  	[sflag:s4] =	ssyncset.done $0x0;
	(pc) =	sbr.rel @!p0 .LBB2_3-.Ltmp1, $4  }
0x12: {  	s7 =	sadd.s32 $0x1800, s7;
	[sflag:s4] =	ssyncadd.s32 $0xFFFFE000  }
0x13: {  	[hbm4b:s7+s6] =	stream.indirect.scatter [tilespmem:s6], [sflag:$0x1], $0x80, s5, s6, $0xb8;
	[tilespmem:$0x2040] =	vst v63  }
0x14: {  	_ =	swait.ge [sflag:s4], $0x2000  }
0x15: {  	s8 =	sadd.s32 $0xFFFFFFFF, s8;
	[sflag:s4] =	ssyncset.done $0x0  }
.LBB2_2:
0x16: {  	p0 =	sne.s32 s8, $0x1;
	s8 =	sadd.s32 $0xFFFFFFFF, s8;
	[sflag:s4] =	ssyncadd.s32 $0xFFFFE000  }
0x17: {  	[tilespmem:s5], [sflag:$0x1] =	stream.linear.gather [hbm4b:s2+s5], $0x40, $0x38;
	[tilespmem:$0x2040] =	vst v63  }
0x18: {  	_ =	swait.ge [sflag:s4], $0x40  }
0x19: {  	[sflag:s4] =	ssyncset.done $0x0  }
0x1a: {  	[sflag:s4] =	ssyncadd.s32 $0xFFFFFFC0  }
0x1b: {  	[tilespmem:s6], [sflag:$0x1] =	stream.linear.gather [hbm4b:s3+s5], $0x2000, $0x38;
	[tilespmem:$0x2040] =	vst v63  }
0x1c: {  	_ =	swait.ge [sflag:s4], $0x2000  }
.Ltmp2:
0x1d: {  	[sflag:s4] =	ssyncset.done $0x0;
	(pc) =	sbr.rel @p0 .LBB2_2-.Ltmp2, $4  }
0x1e: {  	[sflag:s4] =	ssyncadd.s32 $0xFFFFE000  }
0x1f: {  	[hbm4b:s7+s6] =	stream.indirect.scatter [tilespmem:s6], [sflag:$0x1], $0x80, s5, s6, $0xb8;
	[tilespmem:$0x2040] =	vst v63  }
0x20: {  	_ =	swait.ge [sflag:s4], $0x2000  }
0x21: {  	[sflag:s4] =	ssyncset.done $0x0  }
.LBB2_3:
0x22: {  	[sflag:s4] =	ssyncadd.s32 $0xFFFFE000  }
.LBB2_4:
0x23: {  	_ =	sfence.sel $0x180000  }
0x24: {  	[bflag:$0x0] =	sbarrier.arrive $0xFFFF  }
0x25: {  	p0 =	sne.s32 s0, $0x0;
	_ =	strace $0x9000004D  }
0x26: {  	s0 =	sadd.s32 @!p0 $0x100000, s1;
	[bflag:$0x2] =	sbarrier.arrive $0xFFFF  }
0x27: {  	[sflag:s0] =	ssyncadd.tile.s32 @!p0 $0x1;
	_ =	shalt  }
.Lfunc_end2:
_tile_overlayer_lowered:
.L_overlay_start_2:
0x28: {  	(tag) =	ssettag $0x2  }
0x29: {  	s0 =	rddreg [dreg:$0x0];
	s2 =	stileid.u32  }
0x2a: {  	s1 =	rddreg [dreg:$0x1];
	p0 =	sne.s32 s2, $0x0  }
0x2b: {  	s3 =	rddreg [dreg:$0x2];
	[bflag:$0x3] =	sbarrier.arrive $0xFFFF;
	s2 =	simm.s32 @!p0 $0x1C01  }
0x2c: {  	[timem:s3], [sflag:s2] =	dma.local @!p0 [hbm:s0], s1  }
0x2d: {  	s0 =	simm.s32 @!p0 $0x1  }
0x2e: {  	_ =	swait.ge @!p0 [sflag:s0], s1  }
0x2f: {  	s1 =	ssub.s32 @!p0 $0x0, s1;
	[sflag:s0] =	ssyncset.done @!p0 $0x0  }
0x30: {  	[sflag:s0] =	ssyncadd.s32 @!p0 s1  }
0x31: {  	[bflag:$0x3] =	sbarrier.arrive $0xFFFF  }
0x32: {  	_ =	shalt  }

// kernel: kernel.7.cloned.1.call-start
scs
__scs_entry_jumppad:
0x0: {  	(pc) =	sbr.rel $0x88, $3  }
0x1: {  	(tag) =	ssettag $0x0;
	lr =	simm.s32 $0x1  }
0x2: {  	[smem:$0x3F98] =	sst lr;
	_ =	strace $0xD0000000  }
0x3: {  	_ = 	snop  }
0x4: {  	_ = 	snop  }
0x5: {  	_ = 	snop  }
0x6: {  	_ = 	snop  }
0x7: {  	_ = 	snop  }
__scs_overlays_trampoline_lowered:
0x8: {  	[smem:$0x3FA7] =	sst s0  }
0x9: {  	[smem:$0x3FA8] =	sst s1  }
0xa: {  	[smem:$0x3FA9] =	sst s2  }
0xb: {  	[smem:$0x3FAA] =	sst s3  }
0xc: {  	[smem:$0x3FAB] =	sst s4  }
0xd: {  	[smem:$0x3FAC] =	sst s5  }
0xe: {  	[smem:$0x3FAD] =	sst s6  }
0xf: {  	[smem:$0x3FAE] =	sst s7  }
0x10: {  	[smem:$0x3FAF] =	sst s8  }
0x11: {  	[smem:$0x3FB0] =	sst s9;
	s0 =	simm.s32 @!p0 $0x0  }
0x12: {  	s1 =	sld [smem:$0x3F96];
	s0 =	simm.s32 @p0 $0x1  }
0x13: {  	[smem:$0x3FB1] =	sst s0;
	s0 =	simm.s32 @!p1 $0x0  }
0x14: {  	s2 =	sld [smem:$0x3F95];
	s0 =	simm.s32 @p1 $0x1  }
0x15: {  	[smem:$0x3FB2] =	sst s0;
	s0 =	simm.s32 @!p2 $0x0  }
0x16: {  	s3 =	sld [smem:$0x3FDB];
	s0 =	simm.s32 @p2 $0x1  }
0x17: {  	s4 =	simm.s32 $0x1BF5;
	[smem:$0x3FB4] =	sst s0  }
0x18: {  	s0 =	sld [smem:$0x3F97];
	_ =	swait.ge [sflag:s4], $0x0  }
0x19: {  	s7 =	sld [smem:$0x3F98]  }
0x1a: {  	s8 =	sadd.s32 $0xFFFFE003, lr  }
0x1b: {  	s9 =	sadd.s32 $0xFFFFFEF7, lr;
	s5 =	simm.s32 $0xFFFFFFFF;
	p2 =	slt.u32 s8, $0xFFFFF086  }
0x1c: {  	p1 =	slt.u32 s9, $0xF7A;
	s5 =	simm.s32 @!p2 $0x0  }
0x1d: {  	s5 =	simm.s32 @p1 $0x1;
	p0 =	seq.s32 s7, s2  }
0x1e: {  	s7 =	smul.u32 @!p0 $0xF7A, s2;
	p2 =	seq.s32 @!p0 s5, $0x0  }
0x1f: {  	s9 =	smul.u32 $0xF7A, s1;
	s8 =	simm.s32 @!p0 $0x1BF5;
	p2 =	por !p2, p0  }
0x20: {  	[sflag:s8] =	ssyncset.s32 @!p0 $0xFFFFF086;
	s6 =	sadd.s32 @!p0 s3, s7;
	s7 =	simm.s32 @!p0 $0x108  }
0x21: {  	s3 =	sadd.s32 s3, s9;
	s6 =	sadd.s32 @!p0 $0x88, s6;
	s7 =	simm.s32 @p2 $0x1082  }
0x22: {  	[simem:s7], [sflag:s8] =	dma.local @!p0 [hbm:s6], $0xF7A  }
0x23: {  	s9 =	sor.u32 $0xD0000000, s2;
	s6 =	simm.s32 $0x108;
	_ =	swait.ge @!p0 [sflag:s8], $0x0  }
0x24: {  	s3 =	sadd.s32 $0x88, s3;
	s6 =	simm.s32 @!p1 $0x1082;
	[sflag:s4] =	ssyncset.s32 $0xFFFFF086  }
0x25: {  	[simem:s6], [sflag:s4] =	dma.local [hbm:s3], $0xF7A  }
0x26: {  	[smem:$0x3F98] =	sst s1;
	(tag) =	ssettag s2;
	_ =	strace s9  }
0x27: {  	s1 =	sld [smem:$0x3FA8]  }
0x28: {  	s2 =	sld [smem:$0x3FA9]  }
0x29: {  	s4 =	sld [smem:$0x3FAB]  }
0x2a: {  	p0 =	seq.s32 s5, $0x0;
	s5 =	sld [smem:$0x3FAC]  }
0x2b: {  	s6 =	sld [smem:$0x3FAD]  }
0x2c: {  	s7 =	sld [smem:$0x3FAE]  }
0x2d: {  	s3 =	simm.s32 $0x108;
	s8 =	sld [smem:$0x3FAF]  }
0x2e: {  	s3 =	simm.s32 @!p0 $0x1082;
	s9 =	sld [smem:$0x3FB0]  }
0x2f: {  	lr =	sadd.s32 s0, s3;
	s0 =	sld [smem:$0x3FA7]  }
0x30: {  	s3 =	sld [smem:$0x3FAA]  }
0x31: {  	[smem:$0x3FB3] =	sst s10  }
0x32: {  	s10 =	sld [smem:$0x3FB1];
	_ =	sdelay $0x3  }
0x33: {  	p0 =	seq.s32 s10, $0x1;
	s10 =	sld [smem:$0x3FB3];
	_ =	sdelay $0x3  }
0x34: {  	[smem:$0x3FB3] =	sst s10  }
0x35: {  	s10 =	sld [smem:$0x3FB2];
	_ =	sdelay $0x3  }
0x36: {  	p1 =	seq.s32 s10, $0x1;
	s10 =	sld [smem:$0x3FB3];
	_ =	sdelay $0x3  }
0x37: {  	[smem:$0x3FB3] =	sst s10  }
0x38: {  	s10 =	sld [smem:$0x3FB4]  }
0x39: {  	_ = 	snop;
	(pc) =	sbr.ind lr, $3  }
0x3a: {  	_ = 	snop  }
0x3b: {  	_ = 	snop  }
0x3c: {  	p2 =	seq.s32 s10, $0x1;
	s10 =	sld [smem:$0x3FB3]  }
0x3d: {  	_ =	shalt  }
0x3e: {  	_ =	shalt  }
0x3f: {  	_ =	shalt  }
0x40: {  	_ =	shalt  }
0x41: {  	_ =	shalt  }
0x42: {  	_ =	shalt  }
0x43: {  	_ =	shalt  }
0x44: {  	_ =	shalt  }
0x45: {  	_ =	shalt  }
0x46: {  	_ =	shalt  }
0x47: {  	_ =	shalt  }
0x48: {  	_ =	shalt  }
0x49: {  	_ =	shalt  }
0x4a: {  	_ =	shalt  }
0x4b: {  	_ =	shalt  }
0x4c: {  	_ =	shalt  }
0x4d: {  	_ =	shalt  }
0x4e: {  	_ =	shalt  }
0x4f: {  	_ =	shalt  }
0x50: {  	_ =	shalt  }
0x51: {  	_ =	shalt  }
0x52: {  	_ =	shalt  }
0x53: {  	_ =	shalt  }
0x54: {  	_ =	shalt  }
0x55: {  	_ =	shalt  }
0x56: {  	_ =	shalt  }
0x57: {  	_ =	shalt  }
0x58: {  	_ =	shalt  }
0x59: {  	_ =	shalt  }
0x5a: {  	_ =	shalt  }
0x5b: {  	_ =	shalt  }
0x5c: {  	_ =	shalt  }
0x5d: {  	_ =	shalt  }
0x5e: {  	_ =	shalt  }
0x5f: {  	_ =	shalt  }
0x60: {  	_ =	shalt  }
0x61: {  	_ =	shalt  }
0x62: {  	_ =	shalt  }
0x63: {  	_ =	shalt  }
0x64: {  	_ =	shalt  }
0x65: {  	_ =	shalt  }
0x66: {  	_ =	shalt  }
0x67: {  	_ =	shalt  }
0x68: {  	_ =	shalt  }
0x69: {  	_ =	shalt  }
0x6a: {  	_ =	shalt  }
0x6b: {  	_ =	shalt  }
0x6c: {  	_ =	shalt  }
0x6d: {  	_ =	shalt  }
0x6e: {  	_ =	shalt  }
0x6f: {  	_ =	shalt  }
0x70: {  	_ =	shalt  }
0x71: {  	_ =	shalt  }
0x72: {  	_ =	shalt  }
0x73: {  	_ =	shalt  }
0x74: {  	_ =	shalt  }
0x75: {  	_ =	shalt  }
0x76: {  	_ =	shalt  }
0x77: {  	_ =	shalt  }
0x78: {  	_ =	shalt  }
0x79: {  	_ =	shalt  }
0x7a: {  	_ =	shalt  }
0x7b: {  	_ =	shalt  }
0x7c: {  	_ =	shalt  }
0x7d: {  	_ =	shalt  }
0x7e: {  	_ =	shalt  }
0x7f: {  	_ =	shalt  }
0x80: {  	_ =	shalt  }
0x81: {  	_ =	shalt  }
0x82: {  	_ =	shalt  }
0x83: {  	_ =	shalt  }
0x84: {  	_ =	shalt  }
0x85: {  	_ =	shalt  }
0x86: {  	_ =	shalt  }
0x87: {  	_ =	shalt  }
.Lfunc_end0:
.L_simem_size_0:
called_computation.1_lowered:
.L_overlay_start_0:
0x88: {  	s2 =	sld [smem:$0x3FD9]  }
0x89: {  	s3 =	sld [smem:$0x3FFE];
	_ =	sdelay $0x1  }
0x8a: {  	s1 =	srdreg.scid  }
0x8b: {  	s0 =	sand.u32 $0x1, s1  }
0x8c: {  	s14 =	sshll.u32 s0, $0xA;
	s2 =	sadd.s32 s3, s2  }
0x8d: {  	s2 =	sadd.s32 s2, s14  }
0x8e: {  	[smem:$0x3FBF] =	sst s2  }
0x8f: {  	_ = 	snop  }
0x90: {  	s2 =	sld [smem:$0x3FD0];
	_ =	sdelay $0x2  }
0x91: {  	s15 =	simm.s32 $0xA;
	s4 =	simm.s32 $0x10  }
0x92: {  	[smem:s4], [sflag:s15] =	dma.local [hbm:s2], $0x1  }
0x93: {  	_ =	swait.eq [sflag:s15], $0x1  }
0x94: {  	[sflag:s15] =	ssyncset.done $0x0  }
0x95: {  	s16 =	sld [smem:$0x10];
	[sflag:s15] =	ssyncadd.s32 $0xFFFFFFFF  }
0x96: {  	s17 =	sld [smem:$0x11];
	(tm) =	ssettm $0x1  }
0x97: {  	s18 =	sld [smem:$0x3FFB];
	_ =	sdelay $0x3  }
0x98: {  	_ =	strace s18  }
0x99: {  	s4 =	sld [smem:$0x3FFC];
	_ =	sdelay $0x3  }
0x9a: {  	_ =	strace s4  }
0x9b: {  	s4 =	sld [smem:$0x3FFD];
	_ =	sdelay $0x3  }
0x9c: {  	_ =	strace s4  }
0x9d: {  	_ =	strace $0x8FFFFFFF  }
0x9e: {  	s19 =	sld [smem:$0x3FDB];
	_ =	sdelay $0x1  }
0x9f: {  	s5 =	simm.s32 $_scs_section_size  }
0xa0: {  	s6 =	simm.s32 $_size__tile_overlayer_lowered;
	s7 =	simm.s32 $_tile_overlayer_lowered  }
0xa1: {  	s22 =	simm.s32 $0x1BFF;
	s21 =	sshll.u32 s7, $0x1;
	s4 =	sadd.s32 s5, s19  }
0xa2: {  	s8 =	simm.s32 $0x0;
	s20 =	sshll.u32 s6, $0x1;
	s6 =	sadd.s32 s21, s4  }
0xa3: {  	[timem:s8], [sflag:s22] =	dma.local [hbm:s6], s20  }
0xa4: {  	_ =	swait.ge [sflag:s22], s20  }
0xa5: {  	s5 =	ssub.s32 $0x0, s20;
	[sflag:s22] =	ssyncset.done $0x0  }
0xa6: {  	[sflag:s22] =	ssyncadd.s32 s5;
	_ =	sdelay $0x1  }
0xa7: {  	s23 =	simm.s32 $0x1B8B  }
0xa8: {  	_ =	swait.ge [sflag:s23], $0x1  }
0xa9: {  	[sflag:s23] =	ssyncset.done $0x0  }
0xaa: {  	s25 =	simm.s32 $0x1B8E;
	s24 =	sld [smem:$0x3FFE];
	[sflag:s23] =	ssyncadd.s32 $0xFFFFFFFF  }
0xab: {  	s26 =	simm.s32 $execute0_lowered;
	[smem:$0x3FD2] =	sst s25  }
0xac: {  	s6 =	sshll.u32 s26, $0x1;
	_ =	strace $0x80000046;
	[dreg:$0x1] =	wrdreg $0xFFFFFFFF  }
0xad: {  	s28 =	simm.s32 $_size_execute0_lowered;
	s4 =	sadd.s32 s4, s6;
	[dreg:$0x0] =	wrdreg $0x0  }
0xae: {  	s6 =	sshll.u32 s28, $0x1;
	[dreg:$0x2] =	wrdreg s4  }
0xaf: {  	[dreg:$0x3] =	wrdreg s6  }
0xb0: {  	[dreg:$0x4] =	wrdreg $0xC0  }
0xb1: {  	_ =	task [dreg:s8], $0x5FFFF  }
0xb2: {  	[dreg:$0x1] =	wrdreg $0xFFFFFFFF  }
0xb3: {  	[dreg:$0x0] =	wrdreg $0x60  }
0xb4: {  	[dreg:$0x2] =	wrdreg s24  }
0xb5: {  	[dreg:$0x3] =	wrdreg s16  }
0xb6: {  	[dreg:$0x4] =	wrdreg s17  }
0xb7: {  	[dreg:$0x5] =	wrdreg $0x9  }
0xb8: {  	_ =	task.clear_ibuf [dreg:s8], $0x6FFFF;
	_ =	strace $0x90000046  }
0xb9: {  	s29 =	simm.s32 $0x9;
	_ =	strace $0x80000048  }
0xba: {  	_ =	swait.ge [sflag:s29], $0x1  }
0xbb: {  	[sflag:s29] =	ssyncadd.s32 $0xFFFFFFFF  }
0xbc: {  	_ =	strace $0x90000048  }
0xbd: {  	_ =	sfence  }
0xbe: {  	s30 =	sld [smem:$0x0];
	_ =	sdelay $0x2  }
0xbf: {  	s31 =	sshll.u32 s1, $0xD;
	s1 =	sshrl.u32 s1, $0x2  }
0xc0: {  	s3 =	sand.u32 $0x4000, s31;
	s1 =	sadd.s32 s1, s30  }
0xc1: {  	s0 =	sor.u32 s3, s0;
	s1 =	sshll.u32 s1, $0x11  }
0xc2: {  	s0 =	sor.u32 s1, s0  }
0xc3: {  	s0 =	sadd.s32 $0x8F2B, s0  }
0xc4: {  	[sflag:s0] =	ssyncadd.remote.s32 $0x1  }
0xc5: {  	_ =	sfence.sel $0xFFFF  }
0xc6: {  	[dreg:$0x0] =	wrdreg $0xFFFFFFFF;
	(pc) =	sbr.abs _section_cstart, $3  }
0xc7: {  	[dreg:$0x1] =	wrdreg $0xFFFFFFFF  }
0xc8: {  	_ =	task.clear_ibuf [dreg:s8], $0x2FFFF;
	_ =	strace $0x9FFFFFFF  }
0xc9: {  	(tm) =	ssettm $0x7FFFFFFF  }
tec
execute0_lowered:
.L_overlay_start_1:
0x0: {  	(tag) =	ssettag $0x1  }
0x1: {  	s5 =	rddreg [dreg:$0x0]  }
0x2: {  	s3 =	rddreg [dreg:$0x1]  }
0x3: {  	s1 =	srdreg.scid;
	s0 =	stileid.u32  }
0x4: {  	s14 =	rddreg [dreg:$0x2];
	s15 =	sand.u32 $0x1, s1;
	s4 =	sshll.u32 s0, $0x1  }
0x5: {  	s2 =	simm.s32 $0x0;
	s1 =	rddreg [dreg:$0x3];
	s16 =	sor.u32 s15, s4  }
0x6: {  	[smem:$0x7FF] =	sst s2;
	s4 =	sshll.u32 s16, $0x6  }
0x7: {  	_ =	strace $0x80000047;
	s4 =	sadd.s32 s3, s4;
	s3 =	simm.s32 $0x2  }
0x8: {  	[tilespmem:s2], [sflag:$0x2] =	stream.linear.gather [hbm4b:s4+s2], $0x200, $0x38;
	[tilespmem:$0x10200] =	vst v63  }
0x9: {  	_ =	swait.ge [sflag:s3], $0x200  }
0xa: {  	s6 =	simm.s32 $0x80;
	[sflag:s3] =	ssyncset.done $0x0  }
0xb: {  	s7 =	simm.s32 $0x200;
	s5 =	sadd.s32 $0x1800, s5;
	[sflag:s3] =	ssyncadd.s32 $0xFFFFFE00  }
0xc: {  	[tilespmem:s7], [sflag:$0x1] =	stream.indirect.gather [hbm4b:s5+s6], $0x80, s2, s6, $0xb8;
	[tilespmem:$0x10200] =	vst v63  }
0xd: {  	s8 =	simm.s32 $0x4200  }
0xe: {  	[tilespmem:s8], [sflag:$0x1] =	stream.indirect.gather [hbm4b:s5+s6], $0x80, s6, s6, $0xb8;
	[tilespmem:$0x10200] =	vst v63  }
0xf: {  	s9 =	simm.s32 $0x100;
	s10 =	simm.s32 $0x8200  }
0x10: {  	[tilespmem:s10], [sflag:$0x1] =	stream.indirect.gather [hbm4b:s5+s6], $0x80, s9, s6, $0xb8;
	[tilespmem:$0x10200] =	vst v63  }
0x11: {  	s11 =	simm.s32 $0x180;
	s12 =	simm.s32 $0xC200;
	s13 =	simm.s32 $0x1  }
0x12: {  	[tilespmem:s12], [sflag:$0x1] =	stream.indirect.gather [hbm4b:s5+s6], $0x80, s11, s6, $0xb8;
	[tilespmem:$0x10200] =	vst v63  }
0x13: {  	_ =	swait.ge [sflag:s13], $0x4000  }
0x14: {  	[sflag:s13] =	ssyncset.done $0x0  }
0x15: {  	[sflag:s13] =	ssyncadd.s32 $0xFFFFC000  }
0x16: {  	_ =	swait.ge [sflag:s13], $0x4000  }
0x17: {  	[sflag:s13] =	ssyncset.done $0x0  }
0x18: {  	s15 =	ssub.s32 $0x2, s15;
	[sflag:s13] =	ssyncadd.s32 $0xFFFFC000  }
0x19: {  	s17 =	sshrl.u32 s15, $0x1;
	_ =	swait.ge [sflag:s13], $0x4000  }
0x1a: {  	s15 =	ssub.s32 s15, s17;
	[sflag:s13] =	ssyncset.done $0x0  }
0x1b: {  	s15 =	smax.u32 s15, $0x1;
	[sflag:s13] =	ssyncadd.s32 $0xFFFFC000  }
0x1c: {  	p0 =	sne.s32 s15, $0x1;
	_ =	swait.ge [sflag:s13], $0x4000  }
.Ltmp0:
0x1d: {  	s16 =	sshll.u32 s16, $0xD;
	[sflag:s13] =	ssyncset.done $0x0;
	(pc) =	sbr.rel @!p0 .LBB2_2-.Ltmp0, $4  }
0x1e: {  	s14 =	sadd.s32 s14, s16;
	[sflag:s13] =	ssyncadd.s32 $0xFFFFC000  }
0x1f: {  	[hbm4b:s14+s2] =	stream.linear.scatter [tilespmem:s7], [sflag:$0x2], $0x10000, $0x38;
	[tilespmem:$0x10200] =	vst v63  }
0x20: {  	_ =	swait.ge [sflag:s3], $0x10000  }
0x21: {  	s15 =	sadd.s32 $0xFFFFFFFF, s15;
	[sflag:s3] =	ssyncset.done $0x0  }
.LBB2_1:
0x22: {  	p0 =	sne.s32 s15, $0x1;
	s15 =	sadd.s32 $0xFFFFFFFF, s15;
	[sflag:s3] =	ssyncadd.s32 $0xFFFF0000  }
0x23: {  	[tilespmem:s2], [sflag:$0x2] =	stream.linear.gather [hbm4b:s4+s2], $0x200, $0x38;
	[tilespmem:$0x10200] =	vst v63  }
0x24: {  	_ =	swait.ge [sflag:s3], $0x200  }
0x25: {  	[sflag:s3] =	ssyncset.done $0x0  }
0x26: {  	[sflag:s3] =	ssyncadd.s32 $0xFFFFFE00  }
0x27: {  	[tilespmem:s7], [sflag:$0x1] =	stream.indirect.gather [hbm4b:s5+s6], $0x80, s2, s6, $0xb8;
	[tilespmem:$0x10200] =	vst v63  }
0x28: {  	_ = 	snop  }
0x29: {  	[tilespmem:s8], [sflag:$0x1] =	stream.indirect.gather [hbm4b:s5+s6], $0x80, s6, s6, $0xb8;
	[tilespmem:$0x10200] =	vst v63  }
0x2a: {  	_ = 	snop  }
0x2b: {  	[tilespmem:s10], [sflag:$0x1] =	stream.indirect.gather [hbm4b:s5+s6], $0x80, s9, s6, $0xb8;
	[tilespmem:$0x10200] =	vst v63  }
0x2c: {  	_ = 	snop  }
0x2d: {  	[tilespmem:s12], [sflag:$0x1] =	stream.indirect.gather [hbm4b:s5+s6], $0x80, s11, s6, $0xb8;
	[tilespmem:$0x10200] =	vst v63  }
0x2e: {  	_ =	swait.ge [sflag:s13], $0x4000  }
0x2f: {  	[sflag:s13] =	ssyncset.done $0x0  }
0x30: {  	[sflag:s13] =	ssyncadd.s32 $0xFFFFC000  }
0x31: {  	_ =	swait.ge [sflag:s13], $0x4000  }
0x32: {  	[sflag:s13] =	ssyncset.done $0x0  }
0x33: {  	[sflag:s13] =	ssyncadd.s32 $0xFFFFC000  }
0x34: {  	_ =	swait.ge [sflag:s13], $0x4000  }
0x35: {  	[sflag:s13] =	ssyncset.done $0x0  }
0x36: {  	[sflag:s13] =	ssyncadd.s32 $0xFFFFC000  }
0x37: {  	_ =	swait.ge [sflag:s13], $0x4000  }
.Ltmp1:
0x38: {  	[sflag:s13] =	ssyncset.done $0x0;
	(pc) =	sbr.rel @p0 .LBB2_1-.Ltmp1, $4  }
0x39: {  	[sflag:s13] =	ssyncadd.s32 $0xFFFFC000  }
0x3a: {  	[hbm4b:s14+s2] =	stream.linear.scatter [tilespmem:s7], [sflag:$0x2], $0x10000, $0x38;
	[tilespmem:$0x10200] =	vst v63  }
0x3b: {  	_ =	swait.ge [sflag:s3], $0x10000  }
0x3c: {  	[sflag:s3] =	ssyncset.done $0x0  }
.LBB2_2:
0x3d: {  	[sflag:s3] =	ssyncadd.s32 $0xFFFF0000  }
0x3e: {  	_ =	sfence.sel $0x180000  }
0x3f: {  	[bflag:$0x0] =	sbarrier.arrive $0xFFFF  }
0x40: {  	p0 =	sne.s32 s0, $0x0;
	_ =	strace $0x90000047  }
0x41: {  	s0 =	sadd.s32 @!p0 $0x100000, s1;
	[bflag:$0x2] =	sbarrier.arrive $0xFFFF  }
0x42: {  	[sflag:s0] =	ssyncadd.tile.s32 @!p0 $0x1;
	_ =	shalt  }
.Lfunc_end2:
_tile_overlayer_lowered:
.L_overlay_start_2:
0x43: {  	(tag) =	ssettag $0x2  }
0x44: {  	s0 =	rddreg [dreg:$0x0];
	s2 =	stileid.u32  }
0x45: {  	s1 =	rddreg [dreg:$0x1];
	p0 =	sne.s32 s2, $0x0  }
0x46: {  	s3 =	rddreg [dreg:$0x2];
	[bflag:$0x3] =	sbarrier.arrive $0xFFFF;
	s2 =	simm.s32 @!p0 $0x1C02  }
0x47: {  	[timem:s3], [sflag:s2] =	dma.local @!p0 [hbm:s0], s1  }
0x48: {  	s0 =	simm.s32 @!p0 $0x2  }
0x49: {  	_ =	swait.ge @!p0 [sflag:s0], s1  }
0x4a: {  	s1 =	ssub.s32 @!p0 $0x0, s1;
	[sflag:s0] =	ssyncset.done @!p0 $0x0  }
0x4b: {  	[sflag:s0] =	ssyncadd.s32 @!p0 s1  }
0x4c: {  	[bflag:$0x3] =	sbarrier.arrive $0xFFFF  }
0x4d: {  	_ =	shalt  }

// kernel: sparse-core-data-format-call.cloned.1.call-start
scs
called_computation_lowered:
.L_overlay_start_0:
0x0: {  	s2 =	sld [smem:$0x3FD9]  }
0x1: {  	s3 =	sld [smem:$0x3FFE];
	_ =	sdelay $0x1  }
0x2: {  	s1 =	srdreg.scid  }
0x3: {  	s0 =	sand.u32 $0x1, s1  }
0x4: {  	s15 =	sshll.u32 s0, $0xA;
	s2 =	sadd.s32 s3, s2  }
0x5: {  	s2 =	sadd.s32 s2, s15  }
0x6: {  	[smem:$0x3FBF] =	sst s2  }
0x7: {  	_ = 	snop  }
0x8: {  	s2 =	sld [smem:$0x3FD0];
	_ =	sdelay $0x2  }
0x9: {  	s16 =	simm.s32 $0xA;
	s4 =	simm.s32 $0x10  }
0xa: {  	[smem:s4], [sflag:s16] =	dma.local [hbm:s2], $0x1  }
0xb: {  	_ =	swait.eq [sflag:s16], $0x1  }
0xc: {  	[sflag:s16] =	ssyncset.done $0x0  }
0xd: {  	[sflag:s16] =	ssyncadd.s32 $0xFFFFFFFF  }
0xe: {  	s17 =	sld [smem:$0x11];
	(tm) =	ssettm $0x1  }
0xf: {  	s18 =	sld [smem:$0x3FFB];
	_ =	sdelay $0x3  }
0x10: {  	_ =	strace s18  }
0x11: {  	s3 =	sld [smem:$0x3FFC];
	_ =	sdelay $0x3  }
0x12: {  	_ =	strace s3  }
0x13: {  	s3 =	sld [smem:$0x3FFD];
	_ =	sdelay $0x3  }
0x14: {  	_ =	strace s3  }
0x15: {  	_ =	strace $0x8FFFFFFF  }
0x16: {  	s19 =	sld [smem:$0x3FDB];
	_ =	sdelay $0x1  }
0x17: {  	s20 =	simm.s32 $_scs_section_size  }
0x18: {  	s5 =	simm.s32 $_size__tile_overlayer_lowered;
	s6 =	simm.s32 $_tile_overlayer_lowered  }
0x19: {  	s23 =	simm.s32 $0x1BFF;
	s22 =	sshll.u32 s6, $0x1;
	s3 =	sadd.s32 s20, s19  }
0x1a: {  	s7 =	simm.s32 $0x0;
	s21 =	sshll.u32 s5, $0x1;
	s5 =	sadd.s32 s22, s3  }
0x1b: {  	[timem:s7], [sflag:s23] =	dma.local [hbm:s5], s21  }
0x1c: {  	_ =	swait.ge [sflag:s23], s21  }
0x1d: {  	s4 =	ssub.s32 $0x0, s21;
	[sflag:s23] =	ssyncset.done $0x0  }
0x1e: {  	[sflag:s23] =	ssyncadd.s32 s4;
	_ =	sdelay $0x1  }
0x1f: {  	s24 =	simm.s32 $0x1B8B  }
0x20: {  	_ =	swait.ge [sflag:s24], $0x1  }
0x21: {  	[sflag:s24] =	ssyncset.done $0x0  }
0x22: {  	s26 =	simm.s32 $0x1B8E;
	s25 =	sld [smem:$0x3FFE];
	[sflag:s24] =	ssyncadd.s32 $0xFFFFFFFF  }
0x23: {  	s27 =	simm.s32 $execute0_lowered;
	[smem:$0x3FD2] =	sst s26  }
0x24: {  	s5 =	sshll.u32 s27, $0x1;
	_ =	strace $0x8000004F;
	[dreg:$0x1] =	wrdreg $0xFFFFFFFF  }
0x25: {  	s28 =	simm.s32 $_size_execute0_lowered;
	s3 =	sadd.s32 s3, s5;
	[dreg:$0x0] =	wrdreg $0x0  }
0x26: {  	s5 =	sshll.u32 s28, $0x1;
	[dreg:$0x2] =	wrdreg s3  }
0x27: {  	[dreg:$0x3] =	wrdreg s5  }
0x28: {  	[dreg:$0x4] =	wrdreg $0xC0  }
0x29: {  	_ =	task [dreg:s7], $0x5FFFF  }
0x2a: {  	[dreg:$0x1] =	wrdreg $0xFFFFFFFF  }
0x2b: {  	[dreg:$0x0] =	wrdreg $0x60  }
0x2c: {  	[dreg:$0x2] =	wrdreg s25  }
0x2d: {  	[dreg:$0x3] =	wrdreg s17  }
0x2e: {  	[dreg:$0x4] =	wrdreg $0x9  }
0x2f: {  	_ =	task.clear_ibuf [dreg:s7], $0x5FFFF;
	_ =	strace $0x9000004F  }
0x30: {  	s29 =	simm.s32 $0x9;
	_ =	strace $0x80000051  }
0x31: {  	_ =	swait.ge [sflag:s29], $0x1  }
0x32: {  	[sflag:s29] =	ssyncadd.s32 $0xFFFFFFFF  }
0x33: {  	_ =	strace $0x90000051  }
0x34: {  	_ =	sfence  }
0x35: {  	s30 =	sld [smem:$0x0];
	_ =	sdelay $0x2  }
0x36: {  	s31 =	sshll.u32 s1, $0xD;
	s1 =	sshrl.u32 s1, $0x2  }
0x37: {  	s3 =	sand.u32 $0x4000, s31;
	s1 =	sadd.s32 s1, s30  }
0x38: {  	s0 =	sor.u32 s3, s0;
	s1 =	sshll.u32 s1, $0x11  }
0x39: {  	s0 =	sor.u32 s1, s0  }
0x3a: {  	s0 =	sadd.s32 $0x8F2B, s0  }
0x3b: {  	[sflag:s0] =	ssyncadd.remote.s32 $0x1  }
0x3c: {  	_ =	sfence.sel $0xFFFF  }
0x3d: {  	[dreg:$0x0] =	wrdreg $0xFFFFFFFF;
	(pc) =	sbr.abs _section_cstart, $3  }
0x3e: {  	[dreg:$0x1] =	wrdreg $0xFFFFFFFF  }
0x3f: {  	_ =	task.clear_ibuf [dreg:s7], $0x2FFFF;
	_ =	strace $0x9FFFFFFF  }
0x40: {  	(tm) =	ssettm $0x7FFFFFFF  }
0x41: {  	_ =	shalt  }
tec
execute0_lowered:
.L_overlay_start_1:
0x0: {  	(tag) =	ssettag $0x1  }
0x1: {  	s0 =	srdreg.scid  }
0x2: {  	s1 =	sshll.u32 s0, $0x4  }
0x3: {  	s4 =	rddreg [dreg:$0x0];
	s0 =	stileid.u32;
	s1 =	sand.u32 $0x10, s1  }
0x4: {  	s2 =	rddreg [dreg:$0x1];
	s7 =	simm.s32 $0x1;
	s1 =	sor.u32 s0, s1  }
0x5: {  	s8 =	simm.s32 $0x2;
	s11 =	simm.s32 $0x0;
	s3 =	sshll.u32 s1, $0x7  }
0x6: {  	s10 =	simm.s32 $0x0;
	s4 =	sadd.s32 $0x1800, s4;
	s6 =	ssub.s32 $0x80000, s3  }
.Ltmp0:
0x7: {  	s1 =	rddreg [dreg:$0x2];
	s5 =	sand.u32 $0xF80, s6;
	(pc) =	sbr.rel .LBB1_1-.Ltmp0, $4  }
0x8: {  	_ =	strace $0x80000050;
	s9 =	smov.u32 s3;
	p0 =	sne.s32 s5, $0x0  }
0x9: {  	s6 =	sshrl.u32 s6, $0xC;
	s5 =	simm.s32 $0x1;
	s7 =	simm.s32 @!p0 $0x0  }
0xa: {  	[sflag:s5] =	ssyncpa.u1 $0x0;
	p0 =	por $0x0, $0x0;
	s6 =	sadd.s32 s7, s6  }
0xb: {  	[sflag:s8] =	ssyncpa.u1 $0x0;
	s8 =	simm.s32 $0x400000;
	s7 =	sadd.s32 $0x1, s6  }
.LBB1_4:
0xc: {  	s14 =	sshll.u32 s11, $0x3  }
0xd: {  	s15 =	sand.u32 $0x78, s11;
	s14 =	sand.u32 $0x7FC00, s14  }
0xe: {  	[tilespmem:s13+$0x810 ss:$0x81] =	vst.msk $0xffff, v2;
	s29 =	sand.u32 $0x3F0000, s11;
	s30 =	sand.u32 $0x7, s11;
	s14 =	sor.u32 s15, s14  }
0xf: {  	[tilespmem:s13+$0x1020 ss:$0x81] =	vst.msk $0xffff, v0;
	s11 =	sshll.u32 s30, $0x12;
	s15 =	sadd.s32 s2, s29;
	s14 =	sshrl.u32 s14, $0x3  }
0x10: {  	[tilespmem:s13+$0x0 ss:$0x81] =	vst.msk $0xffff, v1;
	s11 =	sor.u32 $0x400, s11;
	s31 =	sadd.s32 s14, s15  }
0x11: {  	[hbm4b:s31+s11] =	stream.strided.scatter [tilespmem:s12], [sflag:$0x2], $0x2000, s8, s11, $0x20;
	[tilespmem:$0x8080] =	vst v63  }
.LBB1_5:
0x12: {  	s13 =	sadd.s32 $0x1000, s9  }
0x13: {  	p2 =	sgt.s32 s13, $0x7FFFF  }
0x14: {  	s13 =	smov.u32 @p2 s3;
	p2 =	sne.s32 s10, s7  }
.Ltmp1:
0x15: {  	p1 =	slt.u32 s10, $0x2;
	(pc) =	sbr.rel @!p2 .LBB1_6-.Ltmp1, $4  }
0x16: {  	s12 =	simm.s32 @!p1 $0x2  }
0x17: {  	s14 =	sadd.s32 $0x1, s10;
	_ =	swait.ge @!p1 [sflag:s12], $0x2000  }
0x18: {  	s11 =	smov.u32 s9;
	p0 =	por !p0, !p0;
	[sflag:s12] =	ssyncset.done @!p1 $0x0  }
0x19: {  	s10 =	smov.u32 s14;
	s9 =	smov.u32 s13;
	[sflag:s12] =	ssyncadd.s32 @!p1 $0xFFFFE000  }
.LBB1_1:
0x1a: {  	p1 =	sge.u32 s10, s6  }
0x1b: {  	s31 =	sadd.s32 $0xFFFFFFFF, s10;
	s12 =	sxor.u32 @!p1 $0xFFFFFFFF, s10;
	s13 =	sshll.u32 @!p1 s9, $0x4  }
0x1c: {  	s14 =	simm.s32 @!p1 $0x40;
	s12 =	sshll.u32 @!p1 s12, $0xD;
	s13 =	sand.u32 @!p1 $0x7FFFF0, s13  }
0x1d: {  	s15 =	simm.s32 @!p1 $0x80;
	s12 =	sand.u32 @!p1 $0x2000, s12;
	s13 =	sadd.s32 @!p1 s4, s13  }
0x1e: {  	[tilespmem:s12], [sflag:$0x1] =	stream.strided.gather @!p1 [hbm4b:s13+s14], $0x2000, s15, s14, $0x38;
	[tilespmem:$0x8080] =	vst v63  }
0x1f: {  	p1 =	sge.u32 s31, s6  }
.Ltmp2:
0x20: {  	_ = 	snop;
	(pc) =	sbr.rel @p1 .LBB1_5-.Ltmp2, $1  }
0x21: {  	_ =	sdelay $0x3  }
0x22: {  	s12 =	simm.s32 $0x1  }
0x23: {  	_ =	swait.ge [sflag:s5], $0x2000;
	s12 =	simm.s32 @!p0 $0x0  }
0x24: {  	[sflag:s5] =	ssyncset.done $0x0;
	s13 =	sshll.u32 s12, $0xD  }
0x25: {  	[sflag:s5] =	ssyncadd.s32 $0xFFFFE000;
	s16 =	sor.u32 $0x20, s13  }
0x26: {  	s12 =	smul.u32 $0x8100, s12;
	v3 =	vld [tilespmem:s16+$0x10]  }
0x27: {  	s30 =	sand.u32 $0x1, s10;
	v2 =	vld [tilespmem:s16+$0xFFFFFFF0]  }
0x28: {  	s13 =	smul.u32 $0x8100, s30;
	s12 =	sshrl.u32 s12, $0x2;
	v0 =	vld [tilespmem:s16+$0x0]  }
0x29: {  	v1 =	vld [tilespmem:s16+$0xFFFFFFE0];
	s14 =	sor.u32 $0x4000, s12  }
0x2a: {  	s31 =	sshrl.u32 s13, $0x2;
	s13 =	sadd.s32 $0x0, s14  }
0x2b: {  	s15 =	simm.s32 $0x4;
	s16 =	sadd.s32 $0x40, s16;
	s12 =	sor.u32 $0x4000, s31;
	[tilespmem:s13+$0x1830 ss:$0x81] =	vst.msk $0xffff, v3  }
.LBB1_3:
0x2c: {  	v3 =	vld [tilespmem:s16+$0x10];
	p1 =	sne.s32 s15, $0x1FC;
	[tilespmem:s13+$0x810 ss:$0x81] =	vst.msk $0xffff, v2;
	s17 =	smov.u32 s15;
	s15 =	sadd.s32 $0x4, s15  }
.Ltmp3:
0x2d: {  	v2 =	vld [tilespmem:s16+$0xFFFFFFF0];
	[tilespmem:s13+$0x1020 ss:$0x81] =	vst.msk $0xffff, v0;
	(pc) =	sbr.rel @p1 .LBB1_3-.Ltmp3, $4  }
0x2e: {  	v0 =	vld [tilespmem:s16+$0x0];
	[tilespmem:s13+$0x0 ss:$0x81] =	vst.msk $0xffff, v1  }
0x2f: {  	s13 =	sshra.s32 s17, $0x2;
	v1 =	vld [tilespmem:s16+$0xFFFFFFE0]  }
0x30: {  	s13 =	sadd.s32 s13, s14  }
0x31: {  	s16 =	sadd.s32 $0x40, s16;
	[tilespmem:s13+$0x1830 ss:$0x81] =	vst.msk $0xffff, v3  }
.Ltmp4:
0x32: {  	_ = 	snop;
	(pc) =	sbr.rel .LBB1_4-.Ltmp4, $1  }
0x33: {  	_ =	sdelay $0x3  }
.LBB1_6:
0x34: {  	_ =	sfence.sel $0x180000  }
0x35: {  	s2 =	simm.s32 $0x1;
	[bflag:$0x0] =	sbarrier.arrive $0xFFFF  }
0x36: {  	s31 =	simm.s32 $0x2;
	[sflag:s2] =	ssyncpa.u1 $0x1  }
0x37: {  	[sflag:s31] =	ssyncpa.u1 $0x1  }
0x38: {  	p0 =	sne.s32 s0, $0x0;
	_ =	strace $0x90000050  }
0x39: {  	s0 =	sadd.s32 @!p0 $0x100000, s1;
	[bflag:$0x2] =	sbarrier.arrive $0xFFFF  }
0x3a: {  	[sflag:s0] =	ssyncadd.tile.s32 @!p0 $0x1;
	_ =	shalt  }
.Lfunc_end1:
_tile_overlayer_lowered:
.L_overlay_start_2:
0x3b: {  	(tag) =	ssettag $0x2  }
0x3c: {  	s0 =	rddreg [dreg:$0x0];
	s2 =	stileid.u32  }
0x3d: {  	s1 =	rddreg [dreg:$0x1];
	p0 =	sne.s32 s2, $0x0  }
0x3e: {  	s3 =	rddreg [dreg:$0x2];
	[bflag:$0x3] =	sbarrier.arrive $0xFFFF;
	s2 =	simm.s32 @!p0 $0x1C01  }
0x3f: {  	[timem:s3], [sflag:s2] =	dma.local @!p0 [hbm:s0], s1  }
0x40: {  	s0 =	simm.s32 @!p0 $0x1  }
0x41: {  	_ =	swait.ge @!p0 [sflag:s0], s1  }
0x42: {  	s1 =	ssub.s32 @!p0 $0x0, s1;
	[sflag:s0] =	ssyncset.done @!p0 $0x0  }
0x43: {  	[sflag:s0] =	ssyncadd.s32 @!p0 s1  }
0x44: {  	[bflag:$0x3] =	sbarrier.arrive $0xFFFF  }
0x45: {  	_ =	shalt  }

</sc_bundles>
